<compile_context>
chip_gen: v7x
topology: tpu7x:2x2x1
jax: 0.10.2.dev20260603
libtpu: 0.0.44.dev20260713+nightly
codegen_flags: <defaults>
</compile_context>

<pallas_src>
import functools

import jax
import jax.numpy as jnp
from jax import lax
from jax.experimental import pallas as pl
from jax.experimental.pallas import tpu as pltpu
from jax.experimental.pallas import tpu_sc as plsc

F = 128
R = 50
CUT = 5.0
N_NODES = 10000
N_PAD = 10240
EB = 1000
W2E = 80
WT = 40
NWIN = 62
NC, NS = 2, 16
STRIPE = N_PAD // NS

_HIGH = None


def _dot(a, b, prec=None):
    return jax.lax.dot_general(a, b, (((1,), (0,)), ((), ())),
                               precision=prec,
                               preferred_element_type=jnp.float32)


def _tdot(a, b):
    return jax.lax.dot_general(a, b, (((0,), (0,)), ((), ())),
                               precision=_HIGH,
                               preferred_element_type=jnp.float32)


def _edge_body(offs_ref, wf1_ref, bf1_ref, wf2_ref, bf2_ref, w01_ref, b01_ref,
               m_ref, d_ref, h_ref, vx_ref, vy_ref, vz_ref, r_ref,
               dh_ref, dvx_ref, dvy_ref, dvz_ref):
    d = d_ref[...].reshape(1, EB)
    offs = offs_ref[...]
    delta = CUT / (R - 1)
    coeff = -0.5 / (delta * delta)
    gT = jnp.exp(coeff * (d - offs) ** 2)
    x = _tdot(gT, wf1_ref[...]) + bf1_ref[...]
    x = jnp.maximum(x, 0.0) + jnp.log1p(jnp.exp(-jnp.abs(x))) - 0.6931471805599453
    filt = _dot(x, wf2_ref[...], _HIGH) + bf2_ref[...]
    ei = h_ref[...] * filt
    e01 = _dot(ei, w01_ref[...], _HIGH) + b01_ref[...]
    e0 = e01[:, :F]
    e1 = e01[:, F:]
    dh_ref[...] = e1
    rT = r_ref[...].reshape(3, EB)
    rb = _tdot(rT, m_ref[...])
    dvx_ref[...] = e0 * rb[:, :F] + e1 * vx_ref[...].reshape(EB, F)
    dvy_ref[...] = e0 * rb[:, F:2 * F] + e1 * vy_ref[...].reshape(EB, F)
    dvz_ref[...] = e0 * rb[:, 2 * F:] + e1 * vz_ref[...].reshape(EB, F)


def _sc_body(dh_hbm, dv0_hbm, dv1_hbm, dv2_hbm, mapm_hbm, mapt_hbm, z128_hbm,
             ones_hbm, pout_hbm, idx_v, idxt_v, rows_a, rows_b, acc_sh,
             sem_a, sem_b):
    cid = lax.axis_index("c")
    sid = lax.axis_index("s")
    wid = cid * NS + sid
    et = NWIN * W2E + WT
    ebase = wid * et
    s0 = pl.multiple_of(sid * STRIPE, 8)
    pltpu.sync_copy(mapm_hbm.at[wid], idx_v)
    pltpu.sync_copy(mapt_hbm.at[wid], idxt_v)
    for chunk in range(5):
        pltpu.sync_copy(z128_hbm, acc_sh.at[pl.ds(s0, STRIPE)])
        plsc.subcore_barrier()
        if chunk < 4:
            src = (dh_hbm, dv0_hbm, dv1_hbm, dv2_hbm)[chunk]

            def win(w):
                return src.at[pl.ds(pl.multiple_of(ebase + w * W2E, 8), W2E)]

            pltpu.make_async_copy(win(0), rows_a, sem_a).start()

            @pl.loop(0, NWIN // 2)
            def _(t):
                w = t * 2
                pltpu.make_async_copy(win(w + 1), rows_b, sem_b).start()
                pltpu.make_async_copy(win(w), rows_a, sem_a).wait()
                pltpu.sync_copy(rows_a, acc_sh.at[idx_v.at[w]], add=True)

                @pl.when(w + 2 < NWIN)
                def _():
                    pltpu.make_async_copy(win(w + 2), rows_a, sem_a).start()

                pltpu.make_async_copy(win(w + 1), rows_b, sem_b).wait()
                pltpu.sync_copy(rows_b, acc_sh.at[idx_v.at[w + 1]], add=True)

            offt = pl.multiple_of(ebase + NWIN * W2E, 8)
            pltpu.sync_copy(src.at[pl.ds(offt, WT)], rows_a.at[pl.ds(0, WT)])
            pltpu.sync_copy(rows_a.at[pl.ds(0, WT)],
                            acc_sh.at[idxt_v.at[0]], add=True)
        else:
            pltpu.sync_copy(ones_hbm, rows_a)

            @pl.loop(0, NWIN)
            def _(w):
                pltpu.sync_copy(rows_a, acc_sh.at[idx_v.at[w]], add=True)

            pltpu.sync_copy(rows_a.at[pl.ds(0, WT)],
                            acc_sh.at[idxt_v.at[0]], add=True)

        plsc.subcore_barrier()
        pltpu.sync_copy(acc_sh.at[pl.ds(s0, STRIPE)],
                        pout_hbm.at[cid, chunk, pl.ds(s0, STRIPE)])


def _merge_body(p_ref, bigk_ref, dh_ref, dv_ref):
    p = p_ref[...]
    s = p[0] + p[1]
    cnt = s[4, :, 0:1]
    inv = 1.0 / jnp.maximum(cnt, 1.0)
    dh_ref[...] = s[0] * inv
    sv = jnp.concatenate([s[1], s[2], s[3]], axis=1) * inv
    dv_ref[...] = _dot(sv, bigk_ref[...])


def kernel(h_i, v_i, d_iI, unit_r_iI, mapping, Wf1, bf1, Wf2, bf2, Wl1, bl1,
           Wl2, bl2, W0, b0, W1, b1, W2, b2):
    E = h_i.shape[0]
    N = N_NODES
    f32 = jnp.float32

    nb = E // EB
    v3 = v_i.transpose(0, 2, 1).reshape(E, 3, 1, F)
    d3 = d_iI.reshape(nb, 1, EB)
    r3 = unit_r_iI.T.reshape(3, nb, EB).transpose(1, 0, 2)
    offs = jnp.linspace(0.0, CUT, R, dtype=f32).reshape(R, 1)

    ci = lax.broadcasted_iota(jnp.int32, (3, 3 * F), 0)
    li = lax.broadcasted_iota(jnp.int32, (3, 3 * F), 1)
    M = (li // F == ci).astype(f32)
    cb = lax.broadcasted_iota(jnp.int32, (3 * F, 3 * F), 0)
    lb = lax.broadcasted_iota(jnp.int32, (3 * F, 3 * F), 1)
    BIGK = ((lb % 3 == cb // F) & (lb // 3 == cb % F)).astype(f32)
    W01 = jnp.concatenate([W0, W1], axis=1)
    b01 = jnp.concatenate([b0, b1]).reshape(1, 2 * F)

    wspec = lambda shp: pl.BlockSpec(shp, lambda i: (0,) * len(shp))
    espec = lambda w: pl.BlockSpec((EB, w), lambda i: (i, 0))
    vspec = lambda c: pl.BlockSpec((EB, 1, 1, F), lambda i, c=c: (i, c, 0, 0))
    eout = jax.ShapeDtypeStruct((E, F), f32)
    dh_e, dv0_e, dv1_e, dv2_e = pl.pallas_call(
        _edge_body,
        grid=(nb,),
        in_specs=[wspec((R, 1)), wspec((R, F)), wspec((1, F)), wspec((F, F)),
                  wspec((1, F)), wspec((F, 2 * F)), wspec((1, 2 * F)),
                  wspec((3, 3 * F)),
                  pl.BlockSpec((1, 1, EB), lambda i: (i, 0, 0)),
                  espec(F), vspec(0), vspec(1), vspec(2),
                  pl.BlockSpec((1, 3, EB), lambda i: (i, 0, 0))],
        out_specs=[espec(F), espec(F), espec(F), espec(F)],
        out_shape=[eout, eout, eout, eout],
    )(offs, Wf1, bf1.reshape(1, F), Wf2, bf2.reshape(1, F),
      W01, b01, M, d3, h_i, v3, v3, v3, r3)

    et = NWIN * W2E + WT
    mm = mapping.reshape(NC * NS, et)
    mapm = mm[:, :NWIN * W2E].reshape(NC * NS, NWIN, W2E)
    mapt = mm[:, NWIN * W2E:].reshape(NC * NS, 1, WT)
    z128 = jnp.zeros((STRIPE, F), f32)
    ones128 = jnp.ones((W2E, F), f32)

    mesh = plsc.VectorSubcoreMesh(core_axis_name="c", subcore_axis_name="s")
    sc_call = pl.kernel(
        _sc_body, mesh=mesh,
        out_type=jax.ShapeDtypeStruct((NC, 5, N_PAD, F), f32),
        scratch_types=[pltpu.VMEM((NWIN, W2E), jnp.int32),
                       pltpu.VMEM((1, WT), jnp.int32),
                       pltpu.VMEM((W2E, F), f32),
                       pltpu.VMEM((W2E, F), f32),
                       pltpu.VMEM_SHARED((N_PAD, F), f32),
                       pltpu.SemaphoreType.DMA,
                       pltpu.SemaphoreType.DMA],
    )
    pout = sc_call(dh_e, dv0_e, dv1_e, dv2_e, mapm, mapt, z128, ones128)

    BN = 1000
    dh_i, dv_i = pl.pallas_call(
        _merge_body,
        grid=(N // BN,),
        in_specs=[pl.BlockSpec((NC, 5, BN, F), lambda i: (0, 0, i, 0)),
                  pl.BlockSpec((3 * F, 3 * F), lambda i: (0, 0))],
        out_specs=[pl.BlockSpec((BN, F), lambda i: (i, 0)),
                   pl.BlockSpec((BN, 3 * F), lambda i: (i, 0))],
        out_shape=[jax.ShapeDtypeStruct((N, F), f32),
                   jax.ShapeDtypeStruct((N, 3 * F), f32)],
    )(pout, BIGK)

    return dh_i, dv_i.reshape(N, F, 3)

# --- scband reference (transcript-rebuilt; emitter-appended) ---
"""Pipeline reference for scband-contractive-equivariant-mplayer-68272800137474 (READ-ONLY COPY).

The authoritative reference and input builder live on the scoring server;
editing this copy changes nothing except your own understanding.
"""

import jax, jax.numpy as jnp
import numpy as np

FEAT = 128
NRBF = 50
CUTOFF = 5.0
E = 160000
N = 10000


def _ssp(x):
    return jax.nn.softplus(x) - jnp.log(2.0)


def setup_inputs(seed: int = 0) -> dict:
    key = jax.random.key(seed)
    ks = jax.random.split(key, 20)
    s = 1.0 / np.sqrt(FEAT)
    sr = 1.0 / np.sqrt(NRBF)
    inp = {}
    inp["h_i"] = jax.random.normal(ks[0], (E, FEAT), dtype=jnp.float32)
    inp["v_i"] = jax.random.normal(ks[1], (E, FEAT, 3), dtype=jnp.float32)
    inp["d_iI"] = jax.random.uniform(ks[2], (E,), dtype=jnp.float32)
    inp["unit_r_iI"] = jax.random.normal(ks[3], (E, 3), dtype=jnp.float32)
    inp["mapping"] = jax.random.randint(ks[4], (E,), 0, N, dtype=jnp.int32)
    # SchNetEdgeFilter MLP params (n_rbf -> feat -> feat)
    inp["Wf1"] = jax.random.normal(ks[5], (NRBF, FEAT), dtype=jnp.float32) * sr
    inp["bf1"] = jnp.zeros((FEAT,), dtype=jnp.float32)
    inp["Wf2"] = jax.random.normal(ks[6], (FEAT, FEAT), dtype=jnp.float32) * s
    inp["bf2"] = jnp.zeros((FEAT,), dtype=jnp.float32)
    # self.layers: Dense(feat, feat, act=silu) -> Dense(feat, feat)
    inp["Wl1"] = jax.random.normal(ks[7], (FEAT, FEAT), dtype=jnp.float32) * s
    inp["bl1"] = jnp.zeros((FEAT,), dtype=jnp.float32)
    inp["Wl2"] = jax.random.normal(ks[8], (FEAT, FEAT), dtype=jnp.float32) * s
    inp["bl2"] = jnp.zeros((FEAT,), dtype=jnp.float32)
    # inv2equi_filters[0..2]
    inp["W0"] = jax.random.normal(ks[9], (FEAT, FEAT), dtype=jnp.float32) * s
    inp["b0"] = jnp.zeros((FEAT,), dtype=jnp.float32)
    inp["W1"] = jax.random.normal(ks[10], (FEAT, FEAT), dtype=jnp.float32) * s
    inp["b1"] = jnp.zeros((FEAT,), dtype=jnp.float32)
    inp["W2"] = jax.random.normal(ks[11], (FEAT, FEAT), dtype=jnp.float32) * s
    inp["b2"] = jnp.zeros((FEAT,), dtype=jnp.float32)
    return inp


def reference(h_i, v_i, d_iI, unit_r_iI, mapping, Wf1, bf1, Wf2, bf2, Wl1, bl1, Wl2, bl2, W0, b0, W1, b1, W2, b2):
    # self.layers(h_i) -- computed in the original forward but unused (kept for faithfulness)
    phi = jax.nn.silu(h_i @ Wl1 + bl1) @ Wl2 + bl2
    # SchNetEdgeFilter: gaussian smearing of distances then filter MLP
    offsets = jnp.linspace(0.0, CUTOFF, NRBF)
    coeff = -0.5 / (offsets[1] - offsets[0]) ** 2
    g = jnp.exp(coeff * (d_iI[:, None] - offsets[None, :]) ** 2)  # [E, NRBF]
    filt = _ssp(g @ Wf1 + bf1) @ Wf2 + bf2  # [E, FEAT]
    edge_inv = h_i * filt  # [E, FEAT]
    e0 = edge_inv @ W0 + b0
    e1 = edge_inv @ W1 + b1
    dv = e0[:, :, None] * unit_r_iI[:, None, :] + e1[:, :, None] * v_i  # [E, FEAT, 3]
    dh = e1  # [E, FEAT]
    ones = jnp.ones((E,), dtype=jnp.float32)
    counts = jax.ops.segment_sum(ones, mapping, num_segments=N)
    counts = jnp.maximum(counts, 1.0)
    dh_i = jax.ops.segment_sum(dh, mapping, num_segments=N) / counts[:, None]
    dv_i = jax.ops.segment_sum(dv, mapping, num_segments=N) / counts[:, None, None]
    return (dh_i, dv_i)

if __name__ == "__main__":
    import jax
    _d = setup_inputs()
    print(jax.jit(kernel)(*tuple(_d.values())))

</pallas_src>

<mosaic_0001>
#map = affine_map<(d0, d1) -> (0, 0)>
#map1 = affine_map<(d0, d1) -> (0, 0, 0)>
#map2 = affine_map<(d0, d1) -> (0, 0, 0, 0)>
module attributes {stable_mosaic.version = 14 : i64} {
  func.func @_sc_body(%arg0: i32, %arg1: i32, %arg2: memref<160000x128xf32, #tpu.memory_space<hbm>>, %arg3: memref<160000x128xf32, #tpu.memory_space<hbm>>, %arg4: memref<160000x128xf32, #tpu.memory_space<hbm>>, %arg5: memref<160000x128xf32, #tpu.memory_space<hbm>>, %arg6: memref<32x62x80xi32, #tpu.memory_space<hbm>>, %arg7: memref<32x1x40xi32, #tpu.memory_space<hbm>>, %arg8: memref<640x128xf32, #tpu.memory_space<hbm>>, %arg9: memref<80x128xf32, #tpu.memory_space<hbm>>, %arg10: memref<2x5x10240x128xf32, #tpu.memory_space<hbm>>, %arg11: memref<62x80xi32, #tpu.memory_space<vmem>>, %arg12: memref<1x40xi32, #tpu.memory_space<vmem>>, %arg13: memref<80x128xf32, #tpu.memory_space<vmem>>, %arg14: memref<80x128xf32, #tpu.memory_space<vmem>>, %arg15: memref<10240x128xf32, #tpu.memory_space<vmem_shared>>, %arg16: memref<!tpu.dma_semaphore, #tpu.memory_space<semaphore_mem>>, %arg17: memref<!tpu.dma_semaphore, #tpu.memory_space<semaphore_mem>>) attributes {dimension_semantics = [#tpu.dimension_semantics<core_parallel>, #tpu.dimension_semantics<subcore_parallel>], iteration_bounds = array<i64: 2, 16>, scalar_prefetch = 0 : i64, scratch_operands = 7 : i64, tpu.core_type = #tpu.core_type<sc_vector_subcore>, window_params = [{transform_indices = #map}, {transform_indices = #map}, {transform_indices = #map}, {transform_indices = #map}, {transform_indices = #map1}, {transform_indices = #map1}, {transform_indices = #map}, {transform_indices = #map}, {transform_indices = #map2}]} {
    %mul3A = arith.constant 16 : i32
    %mul3A_0 = arith.muli %arg0, %mul3A : i32
    %add3A = arith.addi %mul3A_0, %arg1 : i32
    %mul3A_1 = arith.constant 5000 : i32
    %mul3A_2 = arith.muli %add3A, %mul3A_1 : i32
    %mul3A_3 = arith.constant 640 : i32
    %mul3A_4 = arith.muli %arg1, %mul3A_3 : i32
    %multiple_of3A = tpu.assume_multiple %mul3A_4, 8 : i32
    "tpu.region"() ({
      %run_scoped3A_86 = tpu.sem_alloc : memref<!tpu.dma_semaphore, #tpu.memory_space<semaphore_mem>>
      %dma_start3A_87 = arith.constant 0 : i32
      %dma_start3A_88 = arith.constant 0 : i32
      %dma_start3A_89 = tpu.memref_slice %arg6[%add3A, %dma_start3A_87, %dma_start3A_88] : memref<32x62x80xi32, #tpu.memory_space<hbm>> -> memref<1x62x80xi32, #tpu.memory_space<hbm>>
      %dma_start3A_90 = tpu.memref_squeeze %dma_start3A_89 : memref<1x62x80xi32, #tpu.memory_space<hbm>> -> memref<62x80xi32, #tpu.memory_space<hbm>>
      %dma_start3A_91 = arith.constant 0 : i32
      %dma_start3A_92 = arith.constant 0 : i32
      %dma_start3A_93 = tpu.memref_slice %arg6[%add3A, %dma_start3A_91, %dma_start3A_92] : memref<32x62x80xi32, #tpu.memory_space<hbm>> -> memref<1x62x80xi32, #tpu.memory_space<hbm>>
      %dma_start3A_94 = tpu.memref_squeeze %dma_start3A_93 : memref<1x62x80xi32, #tpu.memory_space<hbm>> -> memref<62x80xi32, #tpu.memory_space<hbm>>
      tpu.enqueue_dma source(%dma_start3A_94 : memref<62x80xi32, #tpu.memory_space<hbm>>) target(%arg11 : memref<62x80xi32, #tpu.memory_space<vmem>>) target_semaphore(%run_scoped3A_86 : memref<!tpu.dma_semaphore, #tpu.memory_space<semaphore_mem>>)
      %dma_wait3A = arith.constant 0 : i32
      %dma_wait3A_95 = arith.constant 0 : i32
      %dma_wait3A_96 = tpu.memref_slice %arg6[%add3A, %dma_wait3A, %dma_wait3A_95] : memref<32x62x80xi32, #tpu.memory_space<hbm>> -> memref<1x62x80xi32, #tpu.memory_space<hbm>>
      %dma_wait3A_97 = tpu.memref_squeeze %dma_wait3A_96 : memref<1x62x80xi32, #tpu.memory_space<hbm>> -> memref<62x80xi32, #tpu.memory_space<hbm>>
      %dma_wait3A_98 = arith.constant 0 : i32
      %dma_wait3A_99 = arith.constant 0 : i32
      %dma_wait3A_100 = tpu.memref_slice %arg6[%add3A, %dma_wait3A_98, %dma_wait3A_99] : memref<32x62x80xi32, #tpu.memory_space<hbm>> -> memref<1x62x80xi32, #tpu.memory_space<hbm>>
      %dma_wait3A_101 = tpu.memref_squeeze %dma_wait3A_100 : memref<1x62x80xi32, #tpu.memory_space<hbm>> -> memref<62x80xi32, #tpu.memory_space<hbm>>
      tpu.wait_dma2 semaphore(%run_scoped3A_86 : memref<!tpu.dma_semaphore, #tpu.memory_space<semaphore_mem>>) src(%dma_wait3A_101 : memref<62x80xi32, #tpu.memory_space<hbm>>) dst(%arg11 : memref<62x80xi32, #tpu.memory_space<vmem>>)
      tpu.yield
    }) : () -> ()
    "tpu.region"() ({
      %run_scoped3A_86 = tpu.sem_alloc : memref<!tpu.dma_semaphore, #tpu.memory_space<semaphore_mem>>
      %dma_start3A_87 = arith.constant 0 : i32
      %dma_start3A_88 = arith.constant 0 : i32
      %dma_start3A_89 = tpu.memref_slice %arg7[%add3A, %dma_start3A_87, %dma_start3A_88] : memref<32x1x40xi32, #tpu.memory_space<hbm>> -> memref<1x1x40xi32, #tpu.memory_space<hbm>>
      %dma_start3A_90 = tpu.memref_squeeze %dma_start3A_89 : memref<1x1x40xi32, #tpu.memory_space<hbm>> -> memref<1x40xi32, #tpu.memory_space<hbm>>
      %dma_start3A_91 = arith.constant 0 : i32
      %dma_start3A_92 = arith.constant 0 : i32
      %dma_start3A_93 = tpu.memref_slice %arg7[%add3A, %dma_start3A_91, %dma_start3A_92] : memref<32x1x40xi32, #tpu.memory_space<hbm>> -> memref<1x1x40xi32, #tpu.memory_space<hbm>>
      %dma_start3A_94 = tpu.memref_squeeze %dma_start3A_93 : memref<1x1x40xi32, #tpu.memory_space<hbm>> -> memref<1x40xi32, #tpu.memory_space<hbm>>
      tpu.enqueue_dma source(%dma_start3A_94 : memref<1x40xi32, #tpu.memory_space<hbm>>) target(%arg12 : memref<1x40xi32, #tpu.memory_space<vmem>>) target_semaphore(%run_scoped3A_86 : memref<!tpu.dma_semaphore, #tpu.memory_space<semaphore_mem>>)
      %dma_wait3A = arith.constant 0 : i32
      %dma_wait3A_95 = arith.constant 0 : i32
      %dma_wait3A_96 = tpu.memref_slice %arg7[%add3A, %dma_wait3A, %dma_wait3A_95] : memref<32x1x40xi32, #tpu.memory_space<hbm>> -> memref<1x1x40xi32, #tpu.memory_space<hbm>>
      %dma_wait3A_97 = tpu.memref_squeeze %dma_wait3A_96 : memref<1x1x40xi32, #tpu.memory_space<hbm>> -> memref<1x40xi32, #tpu.memory_space<hbm>>
      %dma_wait3A_98 = arith.constant 0 : i32
      %dma_wait3A_99 = arith.constant 0 : i32
      %dma_wait3A_100 = tpu.memref_slice %arg7[%add3A, %dma_wait3A_98, %dma_wait3A_99] : memref<32x1x40xi32, #tpu.memory_space<hbm>> -> memref<1x1x40xi32, #tpu.memory_space<hbm>>
      %dma_wait3A_101 = tpu.memref_squeeze %dma_wait3A_100 : memref<1x1x40xi32, #tpu.memory_space<hbm>> -> memref<1x40xi32, #tpu.memory_space<hbm>>
      tpu.wait_dma2 semaphore(%run_scoped3A_86 : memref<!tpu.dma_semaphore, #tpu.memory_space<semaphore_mem>>) src(%dma_wait3A_101 : memref<1x40xi32, #tpu.memory_space<hbm>>) dst(%arg12 : memref<1x40xi32, #tpu.memory_space<vmem>>)
      tpu.yield
    }) : () -> ()
    "tpu.region"() ({
      %run_scoped3A_86 = tpu.sem_alloc : memref<!tpu.dma_semaphore, #tpu.memory_space<semaphore_mem>>
      %dma_start3A_87 = arith.constant 0 : i32
      %dma_start3A_88 = tpu.memref_slice %arg15[%multiple_of3A, %dma_start3A_87] : memref<10240x128xf32, #tpu.memory_space<vmem_shared>> -> memref<640x128xf32, #tpu.memory_space<vmem_shared>>
      tpu.enqueue_dma source(%arg8 : memref<640x128xf32, #tpu.memory_space<hbm>>) target(%dma_start3A_88 : memref<640x128xf32, #tpu.memory_space<vmem_shared>>) target_semaphore(%run_scoped3A_86 : memref<!tpu.dma_semaphore, #tpu.memory_space<semaphore_mem>>)
      %dma_wait3A = arith.constant 0 : i32
      %dma_wait3A_89 = tpu.memref_slice %arg15[%multiple_of3A, %dma_wait3A] : memref<10240x128xf32, #tpu.memory_space<vmem_shared>> -> memref<640x128xf32, #tpu.memory_space<vmem_shared>>
      tpu.wait_dma2 semaphore(%run_scoped3A_86 : memref<!tpu.dma_semaphore, #tpu.memory_space<semaphore_mem>>) src(%arg8 : memref<640x128xf32, #tpu.memory_space<hbm>>) dst(%dma_wait3A_89 : memref<640x128xf32, #tpu.memory_space<vmem_shared>>)
      tpu.yield
    }) : () -> ()
    %barrier3A = arith.constant 0 : index
    tpu.barrier barrier_id(%barrier3A)
    %add3A_5 = arith.constant 0 : i32
    %add3A_6 = arith.addi %mul3A_2, %add3A_5 : i32
    %multiple_of3A_7 = tpu.assume_multiple %add3A_6, 8 : i32
    %dma_start3A = arith.constant 0 : i32
    %dma_start3A_8 = tpu.memref_slice %arg2[%multiple_of3A_7, %dma_start3A] : memref<160000x128xf32, #tpu.memory_space<hbm>> -> memref<80x128xf32, #tpu.memory_space<hbm>>
    %dma_start3A_9 = arith.constant 0 : i32
    %dma_start3A_10 = tpu.memref_slice %arg2[%multiple_of3A_7, %dma_start3A_9] : memref<160000x128xf32, #tpu.memory_space<hbm>> -> memref<80x128xf32, #tpu.memory_space<hbm>>
    tpu.enqueue_dma source(%dma_start3A_10 : memref<80x128xf32, #tpu.memory_space<hbm>>) target(%arg13 : memref<80x128xf32, #tpu.memory_space<vmem>>) target_semaphore(%arg16 : memref<!tpu.dma_semaphore, #tpu.memory_space<semaphore_mem>>)
    %scan3A = arith.constant 0 : i32
    %scan3A_11 = arith.constant 31 : i32
    %scan3A_12 = arith.addi %scan3A, %scan3A_11 : i32
    %scan3A_13 = arith.constant 1 : i32
    scf.for %scan3A_86 = %scan3A to %scan3A_12 step %scan3A_13  : i32 {
      %mul3A_87 = arith.constant 1 : i32
      %mul3A_88 = arith.muli %scan3A_86, %mul3A_87 : i32
      %add3A_89 = arith.constant 0 : i32
      %add3A_90 = arith.addi %add3A_89, %mul3A_88 : i32
      %mul3A_91 = arith.constant 2 : i32
      %mul3A_92 = arith.muli %add3A_90, %mul3A_91 : i32
      %add3A_93 = arith.constant 1 : i32
      %add3A_94 = arith.addi %mul3A_92, %add3A_93 : i32
      %mul3A_95 = arith.constant 80 : i32
      %mul3A_96 = arith.muli %add3A_94, %mul3A_95 : i32
      %add3A_97 = arith.addi %mul3A_2, %mul3A_96 : i32
      %multiple_of3A_98 = tpu.assume_multiple %add3A_97, 8 : i32
      %dma_start3A_99 = arith.constant 0 : i32
      %dma_start3A_100 = tpu.memref_slice %arg2[%multiple_of3A_98, %dma_start3A_99] : memref<160000x128xf32, #tpu.memory_space<hbm>> -> memref<80x128xf32, #tpu.memory_space<hbm>>
      %dma_start3A_101 = arith.constant 0 : i32
      %dma_start3A_102 = tpu.memref_slice %arg2[%multiple_of3A_98, %dma_start3A_101] : memref<160000x128xf32, #tpu.memory_space<hbm>> -> memref<80x128xf32, #tpu.memory_space<hbm>>
      tpu.enqueue_dma source(%dma_start3A_102 : memref<80x128xf32, #tpu.memory_space<hbm>>) target(%arg14 : memref<80x128xf32, #tpu.memory_space<vmem>>) target_semaphore(%arg17 : memref<!tpu.dma_semaphore, #tpu.memory_space<semaphore_mem>>)
      %mul3A_103 = arith.constant 80 : i32
      %mul3A_104 = arith.muli %mul3A_92, %mul3A_103 : i32
      %add3A_105 = arith.addi %mul3A_2, %mul3A_104 : i32
      %multiple_of3A_106 = tpu.assume_multiple %add3A_105, 8 : i32
      %dma_wait3A = arith.constant 0 : i32
      %dma_wait3A_107 = tpu.memref_slice %arg2[%multiple_of3A_106, %dma_wait3A] : memref<160000x128xf32, #tpu.memory_space<hbm>> -> memref<80x128xf32, #tpu.memory_space<hbm>>
      %dma_wait3A_108 = arith.constant 0 : i32
      %dma_wait3A_109 = tpu.memref_slice %arg2[%multiple_of3A_106, %dma_wait3A_108] : memref<160000x128xf32, #tpu.memory_space<hbm>> -> memref<80x128xf32, #tpu.memory_space<hbm>>
      tpu.wait_dma2 semaphore(%arg16 : memref<!tpu.dma_semaphore, #tpu.memory_space<semaphore_mem>>) src(%dma_wait3A_109 : memref<80x128xf32, #tpu.memory_space<hbm>>) dst(%arg13 : memref<80x128xf32, #tpu.memory_space<vmem>>)
      "tpu.region"() ({
        %run_scoped3A_126 = tpu.sem_alloc : memref<!tpu.dma_semaphore, #tpu.memory_space<semaphore_mem>>
        %dma_start3A_127 = arith.constant 0 : i32
        %dma_start3A_128 = tpu.memref_slice %arg11[%mul3A_92, %dma_start3A_127] : memref<62x80xi32, #tpu.memory_space<vmem>> -> memref<1x80xi32, #tpu.memory_space<vmem>>
        %dma_start3A_129 = tpu.memref_squeeze %dma_start3A_128 : memref<1x80xi32, #tpu.memory_space<vmem>> -> memref<80xi32, #tpu.memory_space<vmem>>
        %dma_start3A_130 = arith.constant 0 : i32
        %dma_start3A_131 = arith.constant 0 : i32
        %dma_start3A_132 = tpu.memref_slice %arg15[%dma_start3A_130, %dma_start3A_131] : memref<10240x128xf32, #tpu.memory_space<vmem_shared>> -> memref<10240x128xf32, #tpu.memory_space<vmem_shared>>
        tpu.enqueue_indirect_dma source(%arg13 : memref<80x128xf32, #tpu.memory_space<vmem>>) target(%dma_start3A_132 : memref<10240x128xf32, #tpu.memory_space<vmem_shared>>) offsets(%dma_start3A_129 : memref<80xi32, #tpu.memory_space<vmem>>) semaphore(%run_scoped3A_126 : memref<!tpu.dma_semaphore, #tpu.memory_space<semaphore_mem>>) {add = true}
        %dma_wait3A_133 = arith.constant 0 : i32
        %dma_wait3A_134 = tpu.memref_slice %arg11[%mul3A_92, %dma_wait3A_133] : memref<62x80xi32, #tpu.memory_space<vmem>> -> memref<1x80xi32, #tpu.memory_space<vmem>>
        %dma_wait3A_135 = tpu.memref_squeeze %dma_wait3A_134 : memref<1x80xi32, #tpu.memory_space<vmem>> -> memref<80xi32, #tpu.memory_space<vmem>>
        %dma_wait3A_136 = arith.constant 0 : i32
        %dma_wait3A_137 = arith.constant 0 : i32
        %dma_wait3A_138 = tpu.memref_slice %arg15[%dma_wait3A_136, %dma_wait3A_137] : memref<10240x128xf32, #tpu.memory_space<vmem_shared>> -> memref<10240x128xf32, #tpu.memory_space<vmem_shared>>
        tpu.wait_indirect_dma semaphore(%run_scoped3A_126 : memref<!tpu.dma_semaphore, #tpu.memory_space<semaphore_mem>>) src(%arg13 : memref<80x128xf32, #tpu.memory_space<vmem>>) dst(%dma_wait3A_138 : memref<10240x128xf32, #tpu.memory_space<vmem_shared>>)
        tpu.yield
      }) : () -> ()
      %add3A_110 = arith.constant 2 : i32
      %add3A_111 = arith.addi %mul3A_92, %add3A_110 : i32
      %lt3A = arith.constant 62 : i32
      %lt3A_112 = arith.cmpi slt, %add3A_111, %lt3A : i32
      %convert_element_type3A = arith.extui %lt3A_112 : i1 to i32
      %cond3A = arith.constant 0 : i32
      %cond3A_113 = arith.cmpi ne, %convert_element_type3A, %cond3A : i32
      scf.if %cond3A_113 {
        %add3A_126 = arith.constant 2 : i32
        %add3A_127 = arith.addi %mul3A_92, %add3A_126 : i32
        %mul3A_128 = arith.constant 80 : i32
        %mul3A_129 = arith.muli %add3A_127, %mul3A_128 : i32
        %add3A_130 = arith.addi %mul3A_2, %mul3A_129 : i32
        %multiple_of3A_131 = tpu.assume_multiple %add3A_130, 8 : i32
        %dma_start3A_132 = arith.constant 0 : i32
        %dma_start3A_133 = tpu.memref_slice %arg2[%multiple_of3A_131, %dma_start3A_132] : memref<160000x128xf32, #tpu.memory_space<hbm>> -> memref<80x128xf32, #tpu.memory_space<hbm>>
        %dma_start3A_134 = arith.constant 0 : i32
        %dma_start3A_135 = tpu.memref_slice %arg2[%multiple_of3A_131, %dma_start3A_134] : memref<160000x128xf32, #tpu.memory_space<hbm>> -> memref<80x128xf32, #tpu.memory_space<hbm>>
        tpu.enqueue_dma source(%dma_start3A_135 : memref<80x128xf32, #tpu.memory_space<hbm>>) target(%arg13 : memref<80x128xf32, #tpu.memory_space<vmem>>) target_semaphore(%arg16 : memref<!tpu.dma_semaphore, #tpu.memory_space<semaphore_mem>>)
      } else {
      }
      %add3A_114 = arith.constant 1 : i32
      %add3A_115 = arith.addi %mul3A_92, %add3A_114 : i32
      %mul3A_116 = arith.constant 80 : i32
      %mul3A_117 = arith.muli %add3A_115, %mul3A_116 : i32
      %add3A_118 = arith.addi %mul3A_2, %mul3A_117 : i32
      %multiple_of3A_119 = tpu.assume_multiple %add3A_118, 8 : i32
      %dma_wait3A_120 = arith.constant 0 : i32
      %dma_wait3A_121 = tpu.memref_slice %arg2[%multiple_of3A_119, %dma_wait3A_120] : memref<160000x128xf32, #tpu.memory_space<hbm>> -> memref<80x128xf32, #tpu.memory_space<hbm>>
      %dma_wait3A_122 = arith.constant 0 : i32
      %dma_wait3A_123 = tpu.memref_slice %arg2[%multiple_of3A_119, %dma_wait3A_122] : memref<160000x128xf32, #tpu.memory_space<hbm>> -> memref<80x128xf32, #tpu.memory_space<hbm>>
      tpu.wait_dma2 semaphore(%arg17 : memref<!tpu.dma_semaphore, #tpu.memory_space<semaphore_mem>>) src(%dma_wait3A_123 : memref<80x128xf32, #tpu.memory_space<hbm>>) dst(%arg14 : memref<80x128xf32, #tpu.memory_space<vmem>>)
      %add3A_124 = arith.constant 1 : i32
      %add3A_125 = arith.addi %mul3A_92, %add3A_124 : i32
      "tpu.region"() ({
        %run_scoped3A_126 = tpu.sem_alloc : memref<!tpu.dma_semaphore, #tpu.memory_space<semaphore_mem>>
        %dma_start3A_127 = arith.constant 0 : i32
        %dma_start3A_128 = tpu.memref_slice %arg11[%add3A_125, %dma_start3A_127] : memref<62x80xi32, #tpu.memory_space<vmem>> -> memref<1x80xi32, #tpu.memory_space<vmem>>
        %dma_start3A_129 = tpu.memref_squeeze %dma_start3A_128 : memref<1x80xi32, #tpu.memory_space<vmem>> -> memref<80xi32, #tpu.memory_space<vmem>>
        %dma_start3A_130 = arith.constant 0 : i32
        %dma_start3A_131 = arith.constant 0 : i32
        %dma_start3A_132 = tpu.memref_slice %arg15[%dma_start3A_130, %dma_start3A_131] : memref<10240x128xf32, #tpu.memory_space<vmem_shared>> -> memref<10240x128xf32, #tpu.memory_space<vmem_shared>>
        tpu.enqueue_indirect_dma source(%arg14 : memref<80x128xf32, #tpu.memory_space<vmem>>) target(%dma_start3A_132 : memref<10240x128xf32, #tpu.memory_space<vmem_shared>>) offsets(%dma_start3A_129 : memref<80xi32, #tpu.memory_space<vmem>>) semaphore(%run_scoped3A_126 : memref<!tpu.dma_semaphore, #tpu.memory_space<semaphore_mem>>) {add = true}
        %dma_wait3A_133 = arith.constant 0 : i32
        %dma_wait3A_134 = tpu.memref_slice %arg11[%add3A_125, %dma_wait3A_133] : memref<62x80xi32, #tpu.memory_space<vmem>> -> memref<1x80xi32, #tpu.memory_space<vmem>>
        %dma_wait3A_135 = tpu.memref_squeeze %dma_wait3A_134 : memref<1x80xi32, #tpu.memory_space<vmem>> -> memref<80xi32, #tpu.memory_space<vmem>>
        %dma_wait3A_136 = arith.constant 0 : i32
        %dma_wait3A_137 = arith.constant 0 : i32
        %dma_wait3A_138 = tpu.memref_slice %arg15[%dma_wait3A_136, %dma_wait3A_137] : memref<10240x128xf32, #tpu.memory_space<vmem_shared>> -> memref<10240x128xf32, #tpu.memory_space<vmem_shared>>
        tpu.wait_indirect_dma semaphore(%run_scoped3A_126 : memref<!tpu.dma_semaphore, #tpu.memory_space<semaphore_mem>>) src(%arg14 : memref<80x128xf32, #tpu.memory_space<vmem>>) dst(%dma_wait3A_138 : memref<10240x128xf32, #tpu.memory_space<vmem_shared>>)
        tpu.yield
      }) : () -> ()
    }
    %scan3A_14 = arith.constant 31 : i32
    %add3A_15 = arith.constant 4960 : i32
    %add3A_16 = arith.addi %mul3A_2, %add3A_15 : i32
    %multiple_of3A_17 = tpu.assume_multiple %add3A_16, 8 : i32
    "tpu.region"() ({
      %run_scoped3A_86 = tpu.sem_alloc : memref<!tpu.dma_semaphore, #tpu.memory_space<semaphore_mem>>
      %dma_start3A_87 = arith.constant 0 : i32
      %dma_start3A_88 = arith.constant 0 : i32
      %dma_start3A_89 = tpu.memref_slice %arg13[%dma_start3A_87, %dma_start3A_88] : memref<80x128xf32, #tpu.memory_space<vmem>> -> memref<40x128xf32, #tpu.memory_space<vmem>>
      %dma_start3A_90 = arith.constant 0 : i32
      %dma_start3A_91 = tpu.memref_slice %arg2[%multiple_of3A_17, %dma_start3A_90] : memref<160000x128xf32, #tpu.memory_space<hbm>> -> memref<40x128xf32, #tpu.memory_space<hbm>>
      %dma_start3A_92 = arith.constant 0 : i32
      %dma_start3A_93 = arith.constant 0 : i32
      %dma_start3A_94 = tpu.memref_slice %arg13[%dma_start3A_92, %dma_start3A_93] : memref<80x128xf32, #tpu.memory_space<vmem>> -> memref<40x128xf32, #tpu.memory_space<vmem>>
      %dma_start3A_95 = arith.constant 0 : i32
      %dma_start3A_96 = tpu.memref_slice %arg2[%multiple_of3A_17, %dma_start3A_95] : memref<160000x128xf32, #tpu.memory_space<hbm>> -> memref<40x128xf32, #tpu.memory_space<hbm>>
      tpu.enqueue_dma source(%dma_start3A_96 : memref<40x128xf32, #tpu.memory_space<hbm>>) target(%dma_start3A_94 : memref<40x128xf32, #tpu.memory_space<vmem>>) target_semaphore(%run_scoped3A_86 : memref<!tpu.dma_semaphore, #tpu.memory_space<semaphore_mem>>)
      %dma_wait3A = arith.constant 0 : i32
      %dma_wait3A_97 = arith.constant 0 : i32
      %dma_wait3A_98 = tpu.memref_slice %arg13[%dma_wait3A, %dma_wait3A_97] : memref<80x128xf32, #tpu.memory_space<vmem>> -> memref<40x128xf32, #tpu.memory_space<vmem>>
      %dma_wait3A_99 = arith.constant 0 : i32
      %dma_wait3A_100 = tpu.memref_slice %arg2[%multiple_of3A_17, %dma_wait3A_99] : memref<160000x128xf32, #tpu.memory_space<hbm>> -> memref<40x128xf32, #tpu.memory_space<hbm>>
      %dma_wait3A_101 = arith.constant 0 : i32
      %dma_wait3A_102 = arith.constant 0 : i32
      %dma_wait3A_103 = tpu.memref_slice %arg13[%dma_wait3A_101, %dma_wait3A_102] : memref<80x128xf32, #tpu.memory_space<vmem>> -> memref<40x128xf32, #tpu.memory_space<vmem>>
      %dma_wait3A_104 = arith.constant 0 : i32
      %dma_wait3A_105 = tpu.memref_slice %arg2[%multiple_of3A_17, %dma_wait3A_104] : memref<160000x128xf32, #tpu.memory_space<hbm>> -> memref<40x128xf32, #tpu.memory_space<hbm>>
      tpu.wait_dma2 semaphore(%run_scoped3A_86 : memref<!tpu.dma_semaphore, #tpu.memory_space<semaphore_mem>>) src(%dma_wait3A_105 : memref<40x128xf32, #tpu.memory_space<hbm>>) dst(%dma_wait3A_103 : memref<40x128xf32, #tpu.memory_space<vmem>>)
      tpu.yield
    }) : () -> ()
    %run_scoped3A = arith.constant 0 : i32
    "tpu.region"() ({
      %run_scoped3A_86 = tpu.sem_alloc : memref<!tpu.dma_semaphore, #tpu.memory_space<semaphore_mem>>
      %dma_start3A_87 = arith.constant 0 : i32
      %dma_start3A_88 = arith.constant 0 : i32
      %dma_start3A_89 = tpu.memref_slice %arg13[%dma_start3A_87, %dma_start3A_88] : memref<80x128xf32, #tpu.memory_space<vmem>> -> memref<40x128xf32, #tpu.memory_space<vmem>>
      %dma_start3A_90 = arith.constant 0 : i32
      %dma_start3A_91 = tpu.memref_slice %arg12[%run_scoped3A, %dma_start3A_90] : memref<1x40xi32, #tpu.memory_space<vmem>> -> memref<1x40xi32, #tpu.memory_space<vmem>>
      %dma_start3A_92 = tpu.memref_squeeze %dma_start3A_91 : memref<1x40xi32, #tpu.memory_space<vmem>> -> memref<40xi32, #tpu.memory_space<vmem>>
      %dma_start3A_93 = arith.constant 0 : i32
      %dma_start3A_94 = arith.constant 0 : i32
      %dma_start3A_95 = tpu.memref_slice %arg15[%dma_start3A_93, %dma_start3A_94] : memref<10240x128xf32, #tpu.memory_space<vmem_shared>> -> memref<10240x128xf32, #tpu.memory_space<vmem_shared>>
      tpu.enqueue_indirect_dma source(%dma_start3A_89 : memref<40x128xf32, #tpu.memory_space<vmem>>) target(%dma_start3A_95 : memref<10240x128xf32, #tpu.memory_space<vmem_shared>>) offsets(%dma_start3A_92 : memref<40xi32, #tpu.memory_space<vmem>>) semaphore(%run_scoped3A_86 : memref<!tpu.dma_semaphore, #tpu.memory_space<semaphore_mem>>) {add = true}
      %dma_wait3A = arith.constant 0 : i32
      %dma_wait3A_96 = arith.constant 0 : i32
      %dma_wait3A_97 = tpu.memref_slice %arg13[%dma_wait3A, %dma_wait3A_96] : memref<80x128xf32, #tpu.memory_space<vmem>> -> memref<40x128xf32, #tpu.memory_space<vmem>>
      %dma_wait3A_98 = arith.constant 0 : i32
      %dma_wait3A_99 = tpu.memref_slice %arg12[%run_scoped3A, %dma_wait3A_98] : memref<1x40xi32, #tpu.memory_space<vmem>> -> memref<1x40xi32, #tpu.memory_space<vmem>>
      %dma_wait3A_100 = tpu.memref_squeeze %dma_wait3A_99 : memref<1x40xi32, #tpu.memory_space<vmem>> -> memref<40xi32, #tpu.memory_space<vmem>>
      %dma_wait3A_101 = arith.constant 0 : i32
      %dma_wait3A_102 = arith.constant 0 : i32
      %dma_wait3A_103 = tpu.memref_slice %arg15[%dma_wait3A_101, %dma_wait3A_102] : memref<10240x128xf32, #tpu.memory_space<vmem_shared>> -> memref<10240x128xf32, #tpu.memory_space<vmem_shared>>
      tpu.wait_indirect_dma semaphore(%run_scoped3A_86 : memref<!tpu.dma_semaphore, #tpu.memory_space<semaphore_mem>>) src(%dma_wait3A_97 : memref<40x128xf32, #tpu.memory_space<vmem>>) dst(%dma_wait3A_103 : memref<10240x128xf32, #tpu.memory_space<vmem_shared>>)
      tpu.yield
    }) : () -> ()
    %barrier3A_18 = arith.constant 0 : index
    tpu.barrier barrier_id(%barrier3A_18)
    %run_scoped3A_19 = arith.constant 0 : i32
    "tpu.region"() ({
      %run_scoped3A_86 = tpu.sem_alloc : memref<!tpu.dma_semaphore, #tpu.memory_space<semaphore_mem>>
      %dma_start3A_87 = arith.constant 0 : i32
      %dma_start3A_88 = tpu.memref_slice %arg10[%arg0, %run_scoped3A_19, %multiple_of3A, %dma_start3A_87] : memref<2x5x10240x128xf32, #tpu.memory_space<hbm>> -> memref<1x1x640x128xf32, #tpu.memory_space<hbm>>
      %dma_start3A_89 = tpu.memref_squeeze %dma_start3A_88 : memref<1x1x640x128xf32, #tpu.memory_space<hbm>> -> memref<640x128xf32, #tpu.memory_space<hbm>>
      %dma_start3A_90 = arith.constant 0 : i32
      %dma_start3A_91 = tpu.memref_slice %arg15[%multiple_of3A, %dma_start3A_90] : memref<10240x128xf32, #tpu.memory_space<vmem_shared>> -> memref<640x128xf32, #tpu.memory_space<vmem_shared>>
      tpu.enqueue_dma source(%dma_start3A_91 : memref<640x128xf32, #tpu.memory_space<vmem_shared>>) target(%dma_start3A_89 : memref<640x128xf32, #tpu.memory_space<hbm>>) target_semaphore(%run_scoped3A_86 : memref<!tpu.dma_semaphore, #tpu.memory_space<semaphore_mem>>)
      %dma_wait3A = arith.constant 0 : i32
      %dma_wait3A_92 = tpu.memref_slice %arg10[%arg0, %run_scoped3A_19, %multiple_of3A, %dma_wait3A] : memref<2x5x10240x128xf32, #tpu.memory_space<hbm>> -> memref<1x1x640x128xf32, #tpu.memory_space<hbm>>
      %dma_wait3A_93 = tpu.memref_squeeze %dma_wait3A_92 : memref<1x1x640x128xf32, #tpu.memory_space<hbm>> -> memref<640x128xf32, #tpu.memory_space<hbm>>
      %dma_wait3A_94 = arith.constant 0 : i32
      %dma_wait3A_95 = tpu.memref_slice %arg15[%multiple_of3A, %dma_wait3A_94] : memref<10240x128xf32, #tpu.memory_space<vmem_shared>> -> memref<640x128xf32, #tpu.memory_space<vmem_shared>>
      tpu.wait_dma2 semaphore(%run_scoped3A_86 : memref<!tpu.dma_semaphore, #tpu.memory_space<semaphore_mem>>) src(%dma_wait3A_95 : memref<640x128xf32, #tpu.memory_space<vmem_shared>>) dst(%dma_wait3A_93 : memref<640x128xf32, #tpu.memory_space<hbm>>)
      tpu.yield
    }) : () -> ()
    "tpu.region"() ({
      %run_scoped3A_86 = tpu.sem_alloc : memref<!tpu.dma_semaphore, #tpu.memory_space<semaphore_mem>>
      %dma_start3A_87 = arith.constant 0 : i32
      %dma_start3A_88 = tpu.memref_slice %arg15[%multiple_of3A, %dma_start3A_87] : memref<10240x128xf32, #tpu.memory_space<vmem_shared>> -> memref<640x128xf32, #tpu.memory_space<vmem_shared>>
      tpu.enqueue_dma source(%arg8 : memref<640x128xf32, #tpu.memory_space<hbm>>) target(%dma_start3A_88 : memref<640x128xf32, #tpu.memory_space<vmem_shared>>) target_semaphore(%run_scoped3A_86 : memref<!tpu.dma_semaphore, #tpu.memory_space<semaphore_mem>>)
      %dma_wait3A = arith.constant 0 : i32
      %dma_wait3A_89 = tpu.memref_slice %arg15[%multiple_of3A, %dma_wait3A] : memref<10240x128xf32, #tpu.memory_space<vmem_shared>> -> memref<640x128xf32, #tpu.memory_space<vmem_shared>>
      tpu.wait_dma2 semaphore(%run_scoped3A_86 : memref<!tpu.dma_semaphore, #tpu.memory_space<semaphore_mem>>) src(%arg8 : memref<640x128xf32, #tpu.memory_space<hbm>>) dst(%dma_wait3A_89 : memref<640x128xf32, #tpu.memory_space<vmem_shared>>)
      tpu.yield
    }) : () -> ()
    %barrier3A_20 = arith.constant 0 : index
    tpu.barrier barrier_id(%barrier3A_20)
    %add3A_21 = arith.constant 0 : i32
    %add3A_22 = arith.addi %mul3A_2, %add3A_21 : i32
    %multiple_of3A_23 = tpu.assume_multiple %add3A_22, 8 : i32
    %dma_start3A_24 = arith.constant 0 : i32
    %dma_start3A_25 = tpu.memref_slice %arg3[%multiple_of3A_23, %dma_start3A_24] : memref<160000x128xf32, #tpu.memory_space<hbm>> -> memref<80x128xf32, #tpu.memory_space<hbm>>
    %dma_start3A_26 = arith.constant 0 : i32
    %dma_start3A_27 = tpu.memref_slice %arg3[%multiple_of3A_23, %dma_start3A_26] : memref<160000x128xf32, #tpu.memory_space<hbm>> -> memref<80x128xf32, #tpu.memory_space<hbm>>
    tpu.enqueue_dma source(%dma_start3A_27 : memref<80x128xf32, #tpu.memory_space<hbm>>) target(%arg13 : memref<80x128xf32, #tpu.memory_space<vmem>>) target_semaphore(%arg16 : memref<!tpu.dma_semaphore, #tpu.memory_space<semaphore_mem>>)
    %scan3A_28 = arith.constant 0 : i32
    %scan3A_29 = arith.constant 31 : i32
    %scan3A_30 = arith.addi %scan3A_28, %scan3A_29 : i32
    %scan3A_31 = arith.constant 1 : i32
    scf.for %scan3A_86 = %scan3A_28 to %scan3A_30 step %scan3A_31  : i32 {
      %mul3A_87 = arith.constant 1 : i32
      %mul3A_88 = arith.muli %scan3A_86, %mul3A_87 : i32
      %add3A_89 = arith.constant 0 : i32
      %add3A_90 = arith.addi %add3A_89, %mul3A_88 : i32
      %mul3A_91 = arith.constant 2 : i32
      %mul3A_92 = arith.muli %add3A_90, %mul3A_91 : i32
      %add3A_93 = arith.constant 1 : i32
      %add3A_94 = arith.addi %mul3A_92, %add3A_93 : i32
      %mul3A_95 = arith.constant 80 : i32
      %mul3A_96 = arith.muli %add3A_94, %mul3A_95 : i32
      %add3A_97 = arith.addi %mul3A_2, %mul3A_96 : i32
      %multiple_of3A_98 = tpu.assume_multiple %add3A_97, 8 : i32
      %dma_start3A_99 = arith.constant 0 : i32
      %dma_start3A_100 = tpu.memref_slice %arg3[%multiple_of3A_98, %dma_start3A_99] : memref<160000x128xf32, #tpu.memory_space<hbm>> -> memref<80x128xf32, #tpu.memory_space<hbm>>
      %dma_start3A_101 = arith.constant 0 : i32
      %dma_start3A_102 = tpu.memref_slice %arg3[%multiple_of3A_98, %dma_start3A_101] : memref<160000x128xf32, #tpu.memory_space<hbm>> -> memref<80x128xf32, #tpu.memory_space<hbm>>
      tpu.enqueue_dma source(%dma_start3A_102 : memref<80x128xf32, #tpu.memory_space<hbm>>) target(%arg14 : memref<80x128xf32, #tpu.memory_space<vmem>>) target_semaphore(%arg17 : memref<!tpu.dma_semaphore, #tpu.memory_space<semaphore_mem>>)
      %mul3A_103 = arith.constant 80 : i32
      %mul3A_104 = arith.muli %mul3A_92, %mul3A_103 : i32
      %add3A_105 = arith.addi %mul3A_2, %mul3A_104 : i32
      %multiple_of3A_106 = tpu.assume_multiple %add3A_105, 8 : i32
      %dma_wait3A = arith.constant 0 : i32
      %dma_wait3A_107 = tpu.memref_slice %arg3[%multiple_of3A_106, %dma_wait3A] : memref<160000x128xf32, #tpu.memory_space<hbm>> -> memref<80x128xf32, #tpu.memory_space<hbm>>
      %dma_wait3A_108 = arith.constant 0 : i32
      %dma_wait3A_109 = tpu.memref_slice %arg3[%multiple_of3A_106, %dma_wait3A_108] : memref<160000x128xf32, #tpu.memory_space<hbm>> -> memref<80x128xf32, #tpu.memory_space<hbm>>
      tpu.wait_dma2 semaphore(%arg16 : memref<!tpu.dma_semaphore, #tpu.memory_space<semaphore_mem>>) src(%dma_wait3A_109 : memref<80x128xf32, #tpu.memory_space<hbm>>) dst(%arg13 : memref<80x128xf32, #tpu.memory_space<vmem>>)
      "tpu.region"() ({
        %run_scoped3A_126 = tpu.sem_alloc : memref<!tpu.dma_semaphore, #tpu.memory_space<semaphore_mem>>
        %dma_start3A_127 = arith.constant 0 : i32
        %dma_start3A_128 = tpu.memref_slice %arg11[%mul3A_92, %dma_start3A_127] : memref<62x80xi32, #tpu.memory_space<vmem>> -> memref<1x80xi32, #tpu.memory_space<vmem>>
        %dma_start3A_129 = tpu.memref_squeeze %dma_start3A_128 : memref<1x80xi32, #tpu.memory_space<vmem>> -> memref<80xi32, #tpu.memory_space<vmem>>
        %dma_start3A_130 = arith.constant 0 : i32
        %dma_start3A_131 = arith.constant 0 : i32
        %dma_start3A_132 = tpu.memref_slice %arg15[%dma_start3A_130, %dma_start3A_131] : memref<10240x128xf32, #tpu.memory_space<vmem_shared>> -> memref<10240x128xf32, #tpu.memory_space<vmem_shared>>
        tpu.enqueue_indirect_dma source(%arg13 : memref<80x128xf32, #tpu.memory_space<vmem>>) target(%dma_start3A_132 : memref<10240x128xf32, #tpu.memory_space<vmem_shared>>) offsets(%dma_start3A_129 : memref<80xi32, #tpu.memory_space<vmem>>) semaphore(%run_scoped3A_126 : memref<!tpu.dma_semaphore, #tpu.memory_space<semaphore_mem>>) {add = true}
        %dma_wait3A_133 = arith.constant 0 : i32
        %dma_wait3A_134 = tpu.memref_slice %arg11[%mul3A_92, %dma_wait3A_133] : memref<62x80xi32, #tpu.memory_space<vmem>> -> memref<1x80xi32, #tpu.memory_space<vmem>>
        %dma_wait3A_135 = tpu.memref_squeeze %dma_wait3A_134 : memref<1x80xi32, #tpu.memory_space<vmem>> -> memref<80xi32, #tpu.memory_space<vmem>>
        %dma_wait3A_136 = arith.constant 0 : i32
        %dma_wait3A_137 = arith.constant 0 : i32
        %dma_wait3A_138 = tpu.memref_slice %arg15[%dma_wait3A_136, %dma_wait3A_137] : memref<10240x128xf32, #tpu.memory_space<vmem_shared>> -> memref<10240x128xf32, #tpu.memory_space<vmem_shared>>
        tpu.wait_indirect_dma semaphore(%run_scoped3A_126 : memref<!tpu.dma_semaphore, #tpu.memory_space<semaphore_mem>>) src(%arg13 : memref<80x128xf32, #tpu.memory_space<vmem>>) dst(%dma_wait3A_138 : memref<10240x128xf32, #tpu.memory_space<vmem_shared>>)
        tpu.yield
      }) : () -> ()
      %add3A_110 = arith.constant 2 : i32
      %add3A_111 = arith.addi %mul3A_92, %add3A_110 : i32
      %lt3A = arith.constant 62 : i32
      %lt3A_112 = arith.cmpi slt, %add3A_111, %lt3A : i32
      %convert_element_type3A = arith.extui %lt3A_112 : i1 to i32
      %cond3A = arith.constant 0 : i32
      %cond3A_113 = arith.cmpi ne, %convert_element_type3A, %cond3A : i32
      scf.if %cond3A_113 {
        %add3A_126 = arith.constant 2 : i32
        %add3A_127 = arith.addi %mul3A_92, %add3A_126 : i32
        %mul3A_128 = arith.constant 80 : i32
        %mul3A_129 = arith.muli %add3A_127, %mul3A_128 : i32
        %add3A_130 = arith.addi %mul3A_2, %mul3A_129 : i32
        %multiple_of3A_131 = tpu.assume_multiple %add3A_130, 8 : i32
        %dma_start3A_132 = arith.constant 0 : i32
        %dma_start3A_133 = tpu.memref_slice %arg3[%multiple_of3A_131, %dma_start3A_132] : memref<160000x128xf32, #tpu.memory_space<hbm>> -> memref<80x128xf32, #tpu.memory_space<hbm>>
        %dma_start3A_134 = arith.constant 0 : i32
        %dma_start3A_135 = tpu.memref_slice %arg3[%multiple_of3A_131, %dma_start3A_134] : memref<160000x128xf32, #tpu.memory_space<hbm>> -> memref<80x128xf32, #tpu.memory_space<hbm>>
        tpu.enqueue_dma source(%dma_start3A_135 : memref<80x128xf32, #tpu.memory_space<hbm>>) target(%arg13 : memref<80x128xf32, #tpu.memory_space<vmem>>) target_semaphore(%arg16 : memref<!tpu.dma_semaphore, #tpu.memory_space<semaphore_mem>>)
      } else {
      }
      %add3A_114 = arith.constant 1 : i32
      %add3A_115 = arith.addi %mul3A_92, %add3A_114 : i32
      %mul3A_116 = arith.constant 80 : i32
      %mul3A_117 = arith.muli %add3A_115, %mul3A_116 : i32
      %add3A_118 = arith.addi %mul3A_2, %mul3A_117 : i32
      %multiple_of3A_119 = tpu.assume_multiple %add3A_118, 8 : i32
      %dma_wait3A_120 = arith.constant 0 : i32
      %dma_wait3A_121 = tpu.memref_slice %arg3[%multiple_of3A_119, %dma_wait3A_120] : memref<160000x128xf32, #tpu.memory_space<hbm>> -> memref<80x128xf32, #tpu.memory_space<hbm>>
      %dma_wait3A_122 = arith.constant 0 : i32
      %dma_wait3A_123 = tpu.memref_slice %arg3[%multiple_of3A_119, %dma_wait3A_122] : memref<160000x128xf32, #tpu.memory_space<hbm>> -> memref<80x128xf32, #tpu.memory_space<hbm>>
      tpu.wait_dma2 semaphore(%arg17 : memref<!tpu.dma_semaphore, #tpu.memory_space<semaphore_mem>>) src(%dma_wait3A_123 : memref<80x128xf32, #tpu.memory_space<hbm>>) dst(%arg14 : memref<80x128xf32, #tpu.memory_space<vmem>>)
      %add3A_124 = arith.constant 1 : i32
      %add3A_125 = arith.addi %mul3A_92, %add3A_124 : i32
      "tpu.region"() ({
        %run_scoped3A_126 = tpu.sem_alloc : memref<!tpu.dma_semaphore, #tpu.memory_space<semaphore_mem>>
        %dma_start3A_127 = arith.constant 0 : i32
        %dma_start3A_128 = tpu.memref_slice %arg11[%add3A_125, %dma_start3A_127] : memref<62x80xi32, #tpu.memory_space<vmem>> -> memref<1x80xi32, #tpu.memory_space<vmem>>
        %dma_start3A_129 = tpu.memref_squeeze %dma_start3A_128 : memref<1x80xi32, #tpu.memory_space<vmem>> -> memref<80xi32, #tpu.memory_space<vmem>>
        %dma_start3A_130 = arith.constant 0 : i32
        %dma_start3A_131 = arith.constant 0 : i32
        %dma_start3A_132 = tpu.memref_slice %arg15[%dma_start3A_130, %dma_start3A_131] : memref<10240x128xf32, #tpu.memory_space<vmem_shared>> -> memref<10240x128xf32, #tpu.memory_space<vmem_shared>>
        tpu.enqueue_indirect_dma source(%arg14 : memref<80x128xf32, #tpu.memory_space<vmem>>) target(%dma_start3A_132 : memref<10240x128xf32, #tpu.memory_space<vmem_shared>>) offsets(%dma_start3A_129 : memref<80xi32, #tpu.memory_space<vmem>>) semaphore(%run_scoped3A_126 : memref<!tpu.dma_semaphore, #tpu.memory_space<semaphore_mem>>) {add = true}
        %dma_wait3A_133 = arith.constant 0 : i32
        %dma_wait3A_134 = tpu.memref_slice %arg11[%add3A_125, %dma_wait3A_133] : memref<62x80xi32, #tpu.memory_space<vmem>> -> memref<1x80xi32, #tpu.memory_space<vmem>>
        %dma_wait3A_135 = tpu.memref_squeeze %dma_wait3A_134 : memref<1x80xi32, #tpu.memory_space<vmem>> -> memref<80xi32, #tpu.memory_space<vmem>>
        %dma_wait3A_136 = arith.constant 0 : i32
        %dma_wait3A_137 = arith.constant 0 : i32
        %dma_wait3A_138 = tpu.memref_slice %arg15[%dma_wait3A_136, %dma_wait3A_137] : memref<10240x128xf32, #tpu.memory_space<vmem_shared>> -> memref<10240x128xf32, #tpu.memory_space<vmem_shared>>
        tpu.wait_indirect_dma semaphore(%run_scoped3A_126 : memref<!tpu.dma_semaphore, #tpu.memory_space<semaphore_mem>>) src(%arg14 : memref<80x128xf32, #tpu.memory_space<vmem>>) dst(%dma_wait3A_138 : memref<10240x128xf32, #tpu.memory_space<vmem_shared>>)
        tpu.yield
      }) : () -> ()
    }
    %scan3A_32 = arith.constant 31 : i32
    %add3A_33 = arith.constant 4960 : i32
    %add3A_34 = arith.addi %mul3A_2, %add3A_33 : i32
    %multiple_of3A_35 = tpu.assume_multiple %add3A_34, 8 : i32
    "tpu.region"() ({
      %run_scoped3A_86 = tpu.sem_alloc : memref<!tpu.dma_semaphore, #tpu.memory_space<semaphore_mem>>
      %dma_start3A_87 = arith.constant 0 : i32
      %dma_start3A_88 = arith.constant 0 : i32
      %dma_start3A_89 = tpu.memref_slice %arg13[%dma_start3A_87, %dma_start3A_88] : memref<80x128xf32, #tpu.memory_space<vmem>> -> memref<40x128xf32, #tpu.memory_space<vmem>>
      %dma_start3A_90 = arith.constant 0 : i32
      %dma_start3A_91 = tpu.memref_slice %arg3[%multiple_of3A_35, %dma_start3A_90] : memref<160000x128xf32, #tpu.memory_space<hbm>> -> memref<40x128xf32, #tpu.memory_space<hbm>>
      %dma_start3A_92 = arith.constant 0 : i32
      %dma_start3A_93 = arith.constant 0 : i32
      %dma_start3A_94 = tpu.memref_slice %arg13[%dma_start3A_92, %dma_start3A_93] : memref<80x128xf32, #tpu.memory_space<vmem>> -> memref<40x128xf32, #tpu.memory_space<vmem>>
      %dma_start3A_95 = arith.constant 0 : i32
      %dma_start3A_96 = tpu.memref_slice %arg3[%multiple_of3A_35, %dma_start3A_95] : memref<160000x128xf32, #tpu.memory_space<hbm>> -> memref<40x128xf32, #tpu.memory_space<hbm>>
      tpu.enqueue_dma source(%dma_start3A_96 : memref<40x128xf32, #tpu.memory_space<hbm>>) target(%dma_start3A_94 : memref<40x128xf32, #tpu.memory_space<vmem>>) target_semaphore(%run_scoped3A_86 : memref<!tpu.dma_semaphore, #tpu.memory_space<semaphore_mem>>)
      %dma_wait3A = arith.constant 0 : i32
      %dma_wait3A_97 = arith.constant 0 : i32
      %dma_wait3A_98 = tpu.memref_slice %arg13[%dma_wait3A, %dma_wait3A_97] : memref<80x128xf32, #tpu.memory_space<vmem>> -> memref<40x128xf32, #tpu.memory_space<vmem>>
      %dma_wait3A_99 = arith.constant 0 : i32
      %dma_wait3A_100 = tpu.memref_slice %arg3[%multiple_of3A_35, %dma_wait3A_99] : memref<160000x128xf32, #tpu.memory_space<hbm>> -> memref<40x128xf32, #tpu.memory_space<hbm>>
      %dma_wait3A_101 = arith.constant 0 : i32
      %dma_wait3A_102 = arith.constant 0 : i32
      %dma_wait3A_103 = tpu.memref_slice %arg13[%dma_wait3A_101, %dma_wait3A_102] : memref<80x128xf32, #tpu.memory_space<vmem>> -> memref<40x128xf32, #tpu.memory_space<vmem>>
      %dma_wait3A_104 = arith.constant 0 : i32
      %dma_wait3A_105 = tpu.memref_slice %arg3[%multiple_of3A_35, %dma_wait3A_104] : memref<160000x128xf32, #tpu.memory_space<hbm>> -> memref<40x128xf32, #tpu.memory_space<hbm>>
      tpu.wait_dma2 semaphore(%run_scoped3A_86 : memref<!tpu.dma_semaphore, #tpu.memory_space<semaphore_mem>>) src(%dma_wait3A_105 : memref<40x128xf32, #tpu.memory_space<hbm>>) dst(%dma_wait3A_103 : memref<40x128xf32, #tpu.memory_space<vmem>>)
      tpu.yield
    }) : () -> ()
    %run_scoped3A_36 = arith.constant 0 : i32
    "tpu.region"() ({
      %run_scoped3A_86 = tpu.sem_alloc : memref<!tpu.dma_semaphore, #tpu.memory_space<semaphore_mem>>
      %dma_start3A_87 = arith.constant 0 : i32
      %dma_start3A_88 = arith.constant 0 : i32
      %dma_start3A_89 = tpu.memref_slice %arg13[%dma_start3A_87, %dma_start3A_88] : memref<80x128xf32, #tpu.memory_space<vmem>> -> memref<40x128xf32, #tpu.memory_space<vmem>>
      %dma_start3A_90 = arith.constant 0 : i32
      %dma_start3A_91 = tpu.memref_slice %arg12[%run_scoped3A_36, %dma_start3A_90] : memref<1x40xi32, #tpu.memory_space<vmem>> -> memref<1x40xi32, #tpu.memory_space<vmem>>
      %dma_start3A_92 = tpu.memref_squeeze %dma_start3A_91 : memref<1x40xi32, #tpu.memory_space<vmem>> -> memref<40xi32, #tpu.memory_space<vmem>>
      %dma_start3A_93 = arith.constant 0 : i32
      %dma_start3A_94 = arith.constant 0 : i32
      %dma_start3A_95 = tpu.memref_slice %arg15[%dma_start3A_93, %dma_start3A_94] : memref<10240x128xf32, #tpu.memory_space<vmem_shared>> -> memref<10240x128xf32, #tpu.memory_space<vmem_shared>>
      tpu.enqueue_indirect_dma source(%dma_start3A_89 : memref<40x128xf32, #tpu.memory_space<vmem>>) target(%dma_start3A_95 : memref<10240x128xf32, #tpu.memory_space<vmem_shared>>) offsets(%dma_start3A_92 : memref<40xi32, #tpu.memory_space<vmem>>) semaphore(%run_scoped3A_86 : memref<!tpu.dma_semaphore, #tpu.memory_space<semaphore_mem>>) {add = true}
      %dma_wait3A = arith.constant 0 : i32
      %dma_wait3A_96 = arith.constant 0 : i32
      %dma_wait3A_97 = tpu.memref_slice %arg13[%dma_wait3A, %dma_wait3A_96] : memref<80x128xf32, #tpu.memory_space<vmem>> -> memref<40x128xf32, #tpu.memory_space<vmem>>
      %dma_wait3A_98 = arith.constant 0 : i32
      %dma_wait3A_99 = tpu.memref_slice %arg12[%run_scoped3A_36, %dma_wait3A_98] : memref<1x40xi32, #tpu.memory_space<vmem>> -> memref<1x40xi32, #tpu.memory_space<vmem>>
      %dma_wait3A_100 = tpu.memref_squeeze %dma_wait3A_99 : memref<1x40xi32, #tpu.memory_space<vmem>> -> memref<40xi32, #tpu.memory_space<vmem>>
      %dma_wait3A_101 = arith.constant 0 : i32
      %dma_wait3A_102 = arith.constant 0 : i32
      %dma_wait3A_103 = tpu.memref_slice %arg15[%dma_wait3A_101, %dma_wait3A_102] : memref<10240x128xf32, #tpu.memory_space<vmem_shared>> -> memref<10240x128xf32, #tpu.memory_space<vmem_shared>>
      tpu.wait_indirect_dma semaphore(%run_scoped3A_86 : memref<!tpu.dma_semaphore, #tpu.memory_space<semaphore_mem>>) src(%dma_wait3A_97 : memref<40x128xf32, #tpu.memory_space<vmem>>) dst(%dma_wait3A_103 : memref<10240x128xf32, #tpu.memory_space<vmem_shared>>)
      tpu.yield
    }) : () -> ()
    %barrier3A_37 = arith.constant 0 : index
    tpu.barrier barrier_id(%barrier3A_37)
    %run_scoped3A_38 = arith.constant 1 : i32
    "tpu.region"() ({
      %run_scoped3A_86 = tpu.sem_alloc : memref<!tpu.dma_semaphore, #tpu.memory_space<semaphore_mem>>
      %dma_start3A_87 = arith.constant 0 : i32
      %dma_start3A_88 = tpu.memref_slice %arg10[%arg0, %run_scoped3A_38, %multiple_of3A, %dma_start3A_87] : memref<2x5x10240x128xf32, #tpu.memory_space<hbm>> -> memref<1x1x640x128xf32, #tpu.memory_space<hbm>>
      %dma_start3A_89 = tpu.memref_squeeze %dma_start3A_88 : memref<1x1x640x128xf32, #tpu.memory_space<hbm>> -> memref<640x128xf32, #tpu.memory_space<hbm>>
      %dma_start3A_90 = arith.constant 0 : i32
      %dma_start3A_91 = tpu.memref_slice %arg15[%multiple_of3A, %dma_start3A_90] : memref<10240x128xf32, #tpu.memory_space<vmem_shared>> -> memref<640x128xf32, #tpu.memory_space<vmem_shared>>
      tpu.enqueue_dma source(%dma_start3A_91 : memref<640x128xf32, #tpu.memory_space<vmem_shared>>) target(%dma_start3A_89 : memref<640x128xf32, #tpu.memory_space<hbm>>) target_semaphore(%run_scoped3A_86 : memref<!tpu.dma_semaphore, #tpu.memory_space<semaphore_mem>>)
      %dma_wait3A = arith.constant 0 : i32
      %dma_wait3A_92 = tpu.memref_slice %arg10[%arg0, %run_scoped3A_38, %multiple_of3A, %dma_wait3A] : memref<2x5x10240x128xf32, #tpu.memory_space<hbm>> -> memref<1x1x640x128xf32, #tpu.memory_space<hbm>>
      %dma_wait3A_93 = tpu.memref_squeeze %dma_wait3A_92 : memref<1x1x640x128xf32, #tpu.memory_space<hbm>> -> memref<640x128xf32, #tpu.memory_space<hbm>>
      %dma_wait3A_94 = arith.constant 0 : i32
      %dma_wait3A_95 = tpu.memref_slice %arg15[%multiple_of3A, %dma_wait3A_94] : memref<10240x128xf32, #tpu.memory_space<vmem_shared>> -> memref<640x128xf32, #tpu.memory_space<vmem_shared>>
      tpu.wait_dma2 semaphore(%run_scoped3A_86 : memref<!tpu.dma_semaphore, #tpu.memory_space<semaphore_mem>>) src(%dma_wait3A_95 : memref<640x128xf32, #tpu.memory_space<vmem_shared>>) dst(%dma_wait3A_93 : memref<640x128xf32, #tpu.memory_space<hbm>>)
      tpu.yield
    }) : () -> ()
    "tpu.region"() ({
      %run_scoped3A_86 = tpu.sem_alloc : memref<!tpu.dma_semaphore, #tpu.memory_space<semaphore_mem>>
      %dma_start3A_87 = arith.constant 0 : i32
      %dma_start3A_88 = tpu.memref_slice %arg15[%multiple_of3A, %dma_start3A_87] : memref<10240x128xf32, #tpu.memory_space<vmem_shared>> -> memref<640x128xf32, #tpu.memory_space<vmem_shared>>
      tpu.enqueue_dma source(%arg8 : memref<640x128xf32, #tpu.memory_space<hbm>>) target(%dma_start3A_88 : memref<640x128xf32, #tpu.memory_space<vmem_shared>>) target_semaphore(%run_scoped3A_86 : memref<!tpu.dma_semaphore, #tpu.memory_space<semaphore_mem>>)
      %dma_wait3A = arith.constant 0 : i32
      %dma_wait3A_89 = tpu.memref_slice %arg15[%multiple_of3A, %dma_wait3A] : memref<10240x128xf32, #tpu.memory_space<vmem_shared>> -> memref<640x128xf32, #tpu.memory_space<vmem_shared>>
      tpu.wait_dma2 semaphore(%run_scoped3A_86 : memref<!tpu.dma_semaphore, #tpu.memory_space<semaphore_mem>>) src(%arg8 : memref<640x128xf32, #tpu.memory_space<hbm>>) dst(%dma_wait3A_89 : memref<640x128xf32, #tpu.memory_space<vmem_shared>>)
      tpu.yield
    }) : () -> ()
    %barrier3A_39 = arith.constant 0 : index
    tpu.barrier barrier_id(%barrier3A_39)
    %add3A_40 = arith.constant 0 : i32
    %add3A_41 = arith.addi %mul3A_2, %add3A_40 : i32
    %multiple_of3A_42 = tpu.assume_multiple %add3A_41, 8 : i32
    %dma_start3A_43 = arith.constant 0 : i32
    %dma_start3A_44 = tpu.memref_slice %arg4[%multiple_of3A_42, %dma_start3A_43] : memref<160000x128xf32, #tpu.memory_space<hbm>> -> memref<80x128xf32, #tpu.memory_space<hbm>>
    %dma_start3A_45 = arith.constant 0 : i32
    %dma_start3A_46 = tpu.memref_slice %arg4[%multiple_of3A_42, %dma_start3A_45] : memref<160000x128xf32, #tpu.memory_space<hbm>> -> memref<80x128xf32, #tpu.memory_space<hbm>>
    tpu.enqueue_dma source(%dma_start3A_46 : memref<80x128xf32, #tpu.memory_space<hbm>>) target(%arg13 : memref<80x128xf32, #tpu.memory_space<vmem>>) target_semaphore(%arg16 : memref<!tpu.dma_semaphore, #tpu.memory_space<semaphore_mem>>)
    %scan3A_47 = arith.constant 0 : i32
    %scan3A_48 = arith.constant 31 : i32
    %scan3A_49 = arith.addi %scan3A_47, %scan3A_48 : i32
    %scan3A_50 = arith.constant 1 : i32
    scf.for %scan3A_86 = %scan3A_47 to %scan3A_49 step %scan3A_50  : i32 {
      %mul3A_87 = arith.constant 1 : i32
      %mul3A_88 = arith.muli %scan3A_86, %mul3A_87 : i32
      %add3A_89 = arith.constant 0 : i32
      %add3A_90 = arith.addi %add3A_89, %mul3A_88 : i32
      %mul3A_91 = arith.constant 2 : i32
      %mul3A_92 = arith.muli %add3A_90, %mul3A_91 : i32
      %add3A_93 = arith.constant 1 : i32
      %add3A_94 = arith.addi %mul3A_92, %add3A_93 : i32
      %mul3A_95 = arith.constant 80 : i32
      %mul3A_96 = arith.muli %add3A_94, %mul3A_95 : i32
      %add3A_97 = arith.addi %mul3A_2, %mul3A_96 : i32
      %multiple_of3A_98 = tpu.assume_multiple %add3A_97, 8 : i32
      %dma_start3A_99 = arith.constant 0 : i32
      %dma_start3A_100 = tpu.memref_slice %arg4[%multiple_of3A_98, %dma_start3A_99] : memref<160000x128xf32, #tpu.memory_space<hbm>> -> memref<80x128xf32, #tpu.memory_space<hbm>>
      %dma_start3A_101 = arith.constant 0 : i32
      %dma_start3A_102 = tpu.memref_slice %arg4[%multiple_of3A_98, %dma_start3A_101] : memref<160000x128xf32, #tpu.memory_space<hbm>> -> memref<80x128xf32, #tpu.memory_space<hbm>>
      tpu.enqueue_dma source(%dma_start3A_102 : memref<80x128xf32, #tpu.memory_space<hbm>>) target(%arg14 : memref<80x128xf32, #tpu.memory_space<vmem>>) target_semaphore(%arg17 : memref<!tpu.dma_semaphore, #tpu.memory_space<semaphore_mem>>)
      %mul3A_103 = arith.constant 80 : i32
      %mul3A_104 = arith.muli %mul3A_92, %mul3A_103 : i32
      %add3A_105 = arith.addi %mul3A_2, %mul3A_104 : i32
      %multiple_of3A_106 = tpu.assume_multiple %add3A_105, 8 : i32
      %dma_wait3A = arith.constant 0 : i32
      %dma_wait3A_107 = tpu.memref_slice %arg4[%multiple_of3A_106, %dma_wait3A] : memref<160000x128xf32, #tpu.memory_space<hbm>> -> memref<80x128xf32, #tpu.memory_space<hbm>>
      %dma_wait3A_108 = arith.constant 0 : i32
      %dma_wait3A_109 = tpu.memref_slice %arg4[%multiple_of3A_106, %dma_wait3A_108] : memref<160000x128xf32, #tpu.memory_space<hbm>> -> memref<80x128xf32, #tpu.memory_space<hbm>>
      tpu.wait_dma2 semaphore(%arg16 : memref<!tpu.dma_semaphore, #tpu.memory_space<semaphore_mem>>) src(%dma_wait3A_109 : memref<80x128xf32, #tpu.memory_space<hbm>>) dst(%arg13 : memref<80x128xf32, #tpu.memory_space<vmem>>)
      "tpu.region"() ({
        %run_scoped3A_126 = tpu.sem_alloc : memref<!tpu.dma_semaphore, #tpu.memory_space<semaphore_mem>>
        %dma_start3A_127 = arith.constant 0 : i32
        %dma_start3A_128 = tpu.memref_slice %arg11[%mul3A_92, %dma_start3A_127] : memref<62x80xi32, #tpu.memory_space<vmem>> -> memref<1x80xi32, #tpu.memory_space<vmem>>
        %dma_start3A_129 = tpu.memref_squeeze %dma_start3A_128 : memref<1x80xi32, #tpu.memory_space<vmem>> -> memref<80xi32, #tpu.memory_space<vmem>>
        %dma_start3A_130 = arith.constant 0 : i32
        %dma_start3A_131 = arith.constant 0 : i32
        %dma_start3A_132 = tpu.memref_slice %arg15[%dma_start3A_130, %dma_start3A_131] : memref<10240x128xf32, #tpu.memory_space<vmem_shared>> -> memref<10240x128xf32, #tpu.memory_space<vmem_shared>>
        tpu.enqueue_indirect_dma source(%arg13 : memref<80x128xf32, #tpu.memory_space<vmem>>) target(%dma_start3A_132 : memref<10240x128xf32, #tpu.memory_space<vmem_shared>>) offsets(%dma_start3A_129 : memref<80xi32, #tpu.memory_space<vmem>>) semaphore(%run_scoped3A_126 : memref<!tpu.dma_semaphore, #tpu.memory_space<semaphore_mem>>) {add = true}
        %dma_wait3A_133 = arith.constant 0 : i32
        %dma_wait3A_134 = tpu.memref_slice %arg11[%mul3A_92, %dma_wait3A_133] : memref<62x80xi32, #tpu.memory_space<vmem>> -> memref<1x80xi32, #tpu.memory_space<vmem>>
        %dma_wait3A_135 = tpu.memref_squeeze %dma_wait3A_134 : memref<1x80xi32, #tpu.memory_space<vmem>> -> memref<80xi32, #tpu.memory_space<vmem>>
        %dma_wait3A_136 = arith.constant 0 : i32
        %dma_wait3A_137 = arith.constant 0 : i32
        %dma_wait3A_138 = tpu.memref_slice %arg15[%dma_wait3A_136, %dma_wait3A_137] : memref<10240x128xf32, #tpu.memory_space<vmem_shared>> -> memref<10240x128xf32, #tpu.memory_space<vmem_shared>>
        tpu.wait_indirect_dma semaphore(%run_scoped3A_126 : memref<!tpu.dma_semaphore, #tpu.memory_space<semaphore_mem>>) src(%arg13 : memref<80x128xf32, #tpu.memory_space<vmem>>) dst(%dma_wait3A_138 : memref<10240x128xf32, #tpu.memory_space<vmem_shared>>)
        tpu.yield
      }) : () -> ()
      %add3A_110 = arith.constant 2 : i32
      %add3A_111 = arith.addi %mul3A_92, %add3A_110 : i32
      %lt3A = arith.constant 62 : i32
      %lt3A_112 = arith.cmpi slt, %add3A_111, %lt3A : i32
      %convert_element_type3A = arith.extui %lt3A_112 : i1 to i32
      %cond3A = arith.constant 0 : i32
      %cond3A_113 = arith.cmpi ne, %convert_element_type3A, %cond3A : i32
      scf.if %cond3A_113 {
        %add3A_126 = arith.constant 2 : i32
        %add3A_127 = arith.addi %mul3A_92, %add3A_126 : i32
        %mul3A_128 = arith.constant 80 : i32
        %mul3A_129 = arith.muli %add3A_127, %mul3A_128 : i32
        %add3A_130 = arith.addi %mul3A_2, %mul3A_129 : i32
        %multiple_of3A_131 = tpu.assume_multiple %add3A_130, 8 : i32
        %dma_start3A_132 = arith.constant 0 : i32
        %dma_start3A_133 = tpu.memref_slice %arg4[%multiple_of3A_131, %dma_start3A_132] : memref<160000x128xf32, #tpu.memory_space<hbm>> -> memref<80x128xf32, #tpu.memory_space<hbm>>
        %dma_start3A_134 = arith.constant 0 : i32
        %dma_start3A_135 = tpu.memref_slice %arg4[%multiple_of3A_131, %dma_start3A_134] : memref<160000x128xf32, #tpu.memory_space<hbm>> -> memref<80x128xf32, #tpu.memory_space<hbm>>
        tpu.enqueue_dma source(%dma_start3A_135 : memref<80x128xf32, #tpu.memory_space<hbm>>) target(%arg13 : memref<80x128xf32, #tpu.memory_space<vmem>>) target_semaphore(%arg16 : memref<!tpu.dma_semaphore, #tpu.memory_space<semaphore_mem>>)
      } else {
      }
      %add3A_114 = arith.constant 1 : i32
      %add3A_115 = arith.addi %mul3A_92, %add3A_114 : i32
      %mul3A_116 = arith.constant 80 : i32
      %mul3A_117 = arith.muli %add3A_115, %mul3A_116 : i32
      %add3A_118 = arith.addi %mul3A_2, %mul3A_117 : i32
      %multiple_of3A_119 = tpu.assume_multiple %add3A_118, 8 : i32
      %dma_wait3A_120 = arith.constant 0 : i32
      %dma_wait3A_121 = tpu.memref_slice %arg4[%multiple_of3A_119, %dma_wait3A_120] : memref<160000x128xf32, #tpu.memory_space<hbm>> -> memref<80x128xf32, #tpu.memory_space<hbm>>
      %dma_wait3A_122 = arith.constant 0 : i32
      %dma_wait3A_123 = tpu.memref_slice %arg4[%multiple_of3A_119, %dma_wait3A_122] : memref<160000x128xf32, #tpu.memory_space<hbm>> -> memref<80x128xf32, #tpu.memory_space<hbm>>
      tpu.wait_dma2 semaphore(%arg17 : memref<!tpu.dma_semaphore, #tpu.memory_space<semaphore_mem>>) src(%dma_wait3A_123 : memref<80x128xf32, #tpu.memory_space<hbm>>) dst(%arg14 : memref<80x128xf32, #tpu.memory_space<vmem>>)
      %add3A_124 = arith.constant 1 : i32
      %add3A_125 = arith.addi %mul3A_92, %add3A_124 : i32
      "tpu.region"() ({
        %run_scoped3A_126 = tpu.sem_alloc : memref<!tpu.dma_semaphore, #tpu.memory_space<semaphore_mem>>
        %dma_start3A_127 = arith.constant 0 : i32
        %dma_start3A_128 = tpu.memref_slice %arg11[%add3A_125, %dma_start3A_127] : memref<62x80xi32, #tpu.memory_space<vmem>> -> memref<1x80xi32, #tpu.memory_space<vmem>>
        %dma_start3A_129 = tpu.memref_squeeze %dma_start3A_128 : memref<1x80xi32, #tpu.memory_space<vmem>> -> memref<80xi32, #tpu.memory_space<vmem>>
        %dma_start3A_130 = arith.constant 0 : i32
        %dma_start3A_131 = arith.constant 0 : i32
        %dma_start3A_132 = tpu.memref_slice %arg15[%dma_start3A_130, %dma_start3A_131] : memref<10240x128xf32, #tpu.memory_space<vmem_shared>> -> memref<10240x128xf32, #tpu.memory_space<vmem_shared>>
        tpu.enqueue_indirect_dma source(%arg14 : memref<80x128xf32, #tpu.memory_space<vmem>>) target(%dma_start3A_132 : memref<10240x128xf32, #tpu.memory_space<vmem_shared>>) offsets(%dma_start3A_129 : memref<80xi32, #tpu.memory_space<vmem>>) semaphore(%run_scoped3A_126 : memref<!tpu.dma_semaphore, #tpu.memory_space<semaphore_mem>>) {add = true}
        %dma_wait3A_133 = arith.constant 0 : i32
        %dma_wait3A_134 = tpu.memref_slice %arg11[%add3A_125, %dma_wait3A_133] : memref<62x80xi32, #tpu.memory_space<vmem>> -> memref<1x80xi32, #tpu.memory_space<vmem>>
        %dma_wait3A_135 = tpu.memref_squeeze %dma_wait3A_134 : memref<1x80xi32, #tpu.memory_space<vmem>> -> memref<80xi32, #tpu.memory_space<vmem>>
        %dma_wait3A_136 = arith.constant 0 : i32
        %dma_wait3A_137 = arith.constant 0 : i32
        %dma_wait3A_138 = tpu.memref_slice %arg15[%dma_wait3A_136, %dma_wait3A_137] : memref<10240x128xf32, #tpu.memory_space<vmem_shared>> -> memref<10240x128xf32, #tpu.memory_space<vmem_shared>>
        tpu.wait_indirect_dma semaphore(%run_scoped3A_126 : memref<!tpu.dma_semaphore, #tpu.memory_space<semaphore_mem>>) src(%arg14 : memref<80x128xf32, #tpu.memory_space<vmem>>) dst(%dma_wait3A_138 : memref<10240x128xf32, #tpu.memory_space<vmem_shared>>)
        tpu.yield
      }) : () -> ()
    }
    %scan3A_51 = arith.constant 31 : i32
    %add3A_52 = arith.constant 4960 : i32
    %add3A_53 = arith.addi %mul3A_2, %add3A_52 : i32
    %multiple_of3A_54 = tpu.assume_multiple %add3A_53, 8 : i32
    "tpu.region"() ({
      %run_scoped3A_86 = tpu.sem_alloc : memref<!tpu.dma_semaphore, #tpu.memory_space<semaphore_mem>>
      %dma_start3A_87 = arith.constant 0 : i32
      %dma_start3A_88 = arith.constant 0 : i32
      %dma_start3A_89 = tpu.memref_slice %arg13[%dma_start3A_87, %dma_start3A_88] : memref<80x128xf32, #tpu.memory_space<vmem>> -> memref<40x128xf32, #tpu.memory_space<vmem>>
      %dma_start3A_90 = arith.constant 0 : i32
      %dma_start3A_91 = tpu.memref_slice %arg4[%multiple_of3A_54, %dma_start3A_90] : memref<160000x128xf32, #tpu.memory_space<hbm>> -> memref<40x128xf32, #tpu.memory_space<hbm>>
      %dma_start3A_92 = arith.constant 0 : i32
      %dma_start3A_93 = arith.constant 0 : i32
      %dma_start3A_94 = tpu.memref_slice %arg13[%dma_start3A_92, %dma_start3A_93] : memref<80x128xf32, #tpu.memory_space<vmem>> -> memref<40x128xf32, #tpu.memory_space<vmem>>
      %dma_start3A_95 = arith.constant 0 : i32
      %dma_start3A_96 = tpu.memref_slice %arg4[%multiple_of3A_54, %dma_start3A_95] : memref<160000x128xf32, #tpu.memory_space<hbm>> -> memref<40x128xf32, #tpu.memory_space<hbm>>
      tpu.enqueue_dma source(%dma_start3A_96 : memref<40x128xf32, #tpu.memory_space<hbm>>) target(%dma_start3A_94 : memref<40x128xf32, #tpu.memory_space<vmem>>) target_semaphore(%run_scoped3A_86 : memref<!tpu.dma_semaphore, #tpu.memory_space<semaphore_mem>>)
      %dma_wait3A = arith.constant 0 : i32
      %dma_wait3A_97 = arith.constant 0 : i32
      %dma_wait3A_98 = tpu.memref_slice %arg13[%dma_wait3A, %dma_wait3A_97] : memref<80x128xf32, #tpu.memory_space<vmem>> -> memref<40x128xf32, #tpu.memory_space<vmem>>
      %dma_wait3A_99 = arith.constant 0 : i32
      %dma_wait3A_100 = tpu.memref_slice %arg4[%multiple_of3A_54, %dma_wait3A_99] : memref<160000x128xf32, #tpu.memory_space<hbm>> -> memref<40x128xf32, #tpu.memory_space<hbm>>
      %dma_wait3A_101 = arith.constant 0 : i32
      %dma_wait3A_102 = arith.constant 0 : i32
      %dma_wait3A_103 = tpu.memref_slice %arg13[%dma_wait3A_101, %dma_wait3A_102] : memref<80x128xf32, #tpu.memory_space<vmem>> -> memref<40x128xf32, #tpu.memory_space<vmem>>
      %dma_wait3A_104 = arith.constant 0 : i32
      %dma_wait3A_105 = tpu.memref_slice %arg4[%multiple_of3A_54, %dma_wait3A_104] : memref<160000x128xf32, #tpu.memory_space<hbm>> -> memref<40x128xf32, #tpu.memory_space<hbm>>
      tpu.wait_dma2 semaphore(%run_scoped3A_86 : memref<!tpu.dma_semaphore, #tpu.memory_space<semaphore_mem>>) src(%dma_wait3A_105 : memref<40x128xf32, #tpu.memory_space<hbm>>) dst(%dma_wait3A_103 : memref<40x128xf32, #tpu.memory_space<vmem>>)
      tpu.yield
    }) : () -> ()
    %run_scoped3A_55 = arith.constant 0 : i32
    "tpu.region"() ({
      %run_scoped3A_86 = tpu.sem_alloc : memref<!tpu.dma_semaphore, #tpu.memory_space<semaphore_mem>>
      %dma_start3A_87 = arith.constant 0 : i32
      %dma_start3A_88 = arith.constant 0 : i32
      %dma_start3A_89 = tpu.memref_slice %arg13[%dma_start3A_87, %dma_start3A_88] : memref<80x128xf32, #tpu.memory_space<vmem>> -> memref<40x128xf32, #tpu.memory_space<vmem>>
      %dma_start3A_90 = arith.constant 0 : i32
      %dma_start3A_91 = tpu.memref_slice %arg12[%run_scoped3A_55, %dma_start3A_90] : memref<1x40xi32, #tpu.memory_space<vmem>> -> memref<1x40xi32, #tpu.memory_space<vmem>>
      %dma_start3A_92 = tpu.memref_squeeze %dma_start3A_91 : memref<1x40xi32, #tpu.memory_space<vmem>> -> memref<40xi32, #tpu.memory_space<vmem>>
      %dma_start3A_93 = arith.constant 0 : i32
      %dma_start3A_94 = arith.constant 0 : i32
      %dma_start3A_95 = tpu.memref_slice %arg15[%dma_start3A_93, %dma_start3A_94] : memref<10240x128xf32, #tpu.memory_space<vmem_shared>> -> memref<10240x128xf32, #tpu.memory_space<vmem_shared>>
      tpu.enqueue_indirect_dma source(%dma_start3A_89 : memref<40x128xf32, #tpu.memory_space<vmem>>) target(%dma_start3A_95 : memref<10240x128xf32, #tpu.memory_space<vmem_shared>>) offsets(%dma_start3A_92 : memref<40xi32, #tpu.memory_space<vmem>>) semaphore(%run_scoped3A_86 : memref<!tpu.dma_semaphore, #tpu.memory_space<semaphore_mem>>) {add = true}
      %dma_wait3A = arith.constant 0 : i32
      %dma_wait3A_96 = arith.constant 0 : i32
      %dma_wait3A_97 = tpu.memref_slice %arg13[%dma_wait3A, %dma_wait3A_96] : memref<80x128xf32, #tpu.memory_space<vmem>> -> memref<40x128xf32, #tpu.memory_space<vmem>>
      %dma_wait3A_98 = arith.constant 0 : i32
      %dma_wait3A_99 = tpu.memref_slice %arg12[%run_scoped3A_55, %dma_wait3A_98] : memref<1x40xi32, #tpu.memory_space<vmem>> -> memref<1x40xi32, #tpu.memory_space<vmem>>
      %dma_wait3A_100 = tpu.memref_squeeze %dma_wait3A_99 : memref<1x40xi32, #tpu.memory_space<vmem>> -> memref<40xi32, #tpu.memory_space<vmem>>
      %dma_wait3A_101 = arith.constant 0 : i32
      %dma_wait3A_102 = arith.constant 0 : i32
      %dma_wait3A_103 = tpu.memref_slice %arg15[%dma_wait3A_101, %dma_wait3A_102] : memref<10240x128xf32, #tpu.memory_space<vmem_shared>> -> memref<10240x128xf32, #tpu.memory_space<vmem_shared>>
      tpu.wait_indirect_dma semaphore(%run_scoped3A_86 : memref<!tpu.dma_semaphore, #tpu.memory_space<semaphore_mem>>) src(%dma_wait3A_97 : memref<40x128xf32, #tpu.memory_space<vmem>>) dst(%dma_wait3A_103 : memref<10240x128xf32, #tpu.memory_space<vmem_shared>>)
      tpu.yield
    }) : () -> ()
    %barrier3A_56 = arith.constant 0 : index
    tpu.barrier barrier_id(%barrier3A_56)
    %run_scoped3A_57 = arith.constant 2 : i32
    "tpu.region"() ({
      %run_scoped3A_86 = tpu.sem_alloc : memref<!tpu.dma_semaphore, #tpu.memory_space<semaphore_mem>>
      %dma_start3A_87 = arith.constant 0 : i32
      %dma_start3A_88 = tpu.memref_slice %arg10[%arg0, %run_scoped3A_57, %multiple_of3A, %dma_start3A_87] : memref<2x5x10240x128xf32, #tpu.memory_space<hbm>> -> memref<1x1x640x128xf32, #tpu.memory_space<hbm>>
      %dma_start3A_89 = tpu.memref_squeeze %dma_start3A_88 : memref<1x1x640x128xf32, #tpu.memory_space<hbm>> -> memref<640x128xf32, #tpu.memory_space<hbm>>
      %dma_start3A_90 = arith.constant 0 : i32
      %dma_start3A_91 = tpu.memref_slice %arg15[%multiple_of3A, %dma_start3A_90] : memref<10240x128xf32, #tpu.memory_space<vmem_shared>> -> memref<640x128xf32, #tpu.memory_space<vmem_shared>>
      tpu.enqueue_dma source(%dma_start3A_91 : memref<640x128xf32, #tpu.memory_space<vmem_shared>>) target(%dma_start3A_89 : memref<640x128xf32, #tpu.memory_space<hbm>>) target_semaphore(%run_scoped3A_86 : memref<!tpu.dma_semaphore, #tpu.memory_space<semaphore_mem>>)
      %dma_wait3A = arith.constant 0 : i32
      %dma_wait3A_92 = tpu.memref_slice %arg10[%arg0, %run_scoped3A_57, %multiple_of3A, %dma_wait3A] : memref<2x5x10240x128xf32, #tpu.memory_space<hbm>> -> memref<1x1x640x128xf32, #tpu.memory_space<hbm>>
      %dma_wait3A_93 = tpu.memref_squeeze %dma_wait3A_92 : memref<1x1x640x128xf32, #tpu.memory_space<hbm>> -> memref<640x128xf32, #tpu.memory_space<hbm>>
      %dma_wait3A_94 = arith.constant 0 : i32
      %dma_wait3A_95 = tpu.memref_slice %arg15[%multiple_of3A, %dma_wait3A_94] : memref<10240x128xf32, #tpu.memory_space<vmem_shared>> -> memref<640x128xf32, #tpu.memory_space<vmem_shared>>
      tpu.wait_dma2 semaphore(%run_scoped3A_86 : memref<!tpu.dma_semaphore, #tpu.memory_space<semaphore_mem>>) src(%dma_wait3A_95 : memref<640x128xf32, #tpu.memory_space<vmem_shared>>) dst(%dma_wait3A_93 : memref<640x128xf32, #tpu.memory_space<hbm>>)
      tpu.yield
    }) : () -> ()
    "tpu.region"() ({
      %run_scoped3A_86 = tpu.sem_alloc : memref<!tpu.dma_semaphore, #tpu.memory_space<semaphore_mem>>
      %dma_start3A_87 = arith.constant 0 : i32
      %dma_start3A_88 = tpu.memref_slice %arg15[%multiple_of3A, %dma_start3A_87] : memref<10240x128xf32, #tpu.memory_space<vmem_shared>> -> memref<640x128xf32, #tpu.memory_space<vmem_shared>>
      tpu.enqueue_dma source(%arg8 : memref<640x128xf32, #tpu.memory_space<hbm>>) target(%dma_start3A_88 : memref<640x128xf32, #tpu.memory_space<vmem_shared>>) target_semaphore(%run_scoped3A_86 : memref<!tpu.dma_semaphore, #tpu.memory_space<semaphore_mem>>)
      %dma_wait3A = arith.constant 0 : i32
      %dma_wait3A_89 = tpu.memref_slice %arg15[%multiple_of3A, %dma_wait3A] : memref<10240x128xf32, #tpu.memory_space<vmem_shared>> -> memref<640x128xf32, #tpu.memory_space<vmem_shared>>
      tpu.wait_dma2 semaphore(%run_scoped3A_86 : memref<!tpu.dma_semaphore, #tpu.memory_space<semaphore_mem>>) src(%arg8 : memref<640x128xf32, #tpu.memory_space<hbm>>) dst(%dma_wait3A_89 : memref<640x128xf32, #tpu.memory_space<vmem_shared>>)
      tpu.yield
    }) : () -> ()
    %barrier3A_58 = arith.constant 0 : index
    tpu.barrier barrier_id(%barrier3A_58)
    %add3A_59 = arith.constant 0 : i32
    %add3A_60 = arith.addi %mul3A_2, %add3A_59 : i32
    %multiple_of3A_61 = tpu.assume_multiple %add3A_60, 8 : i32
    %dma_start3A_62 = arith.constant 0 : i32
    %dma_start3A_63 = tpu.memref_slice %arg5[%multiple_of3A_61, %dma_start3A_62] : memref<160000x128xf32, #tpu.memory_space<hbm>> -> memref<80x128xf32, #tpu.memory_space<hbm>>
    %dma_start3A_64 = arith.constant 0 : i32
    %dma_start3A_65 = tpu.memref_slice %arg5[%multiple_of3A_61, %dma_start3A_64] : memref<160000x128xf32, #tpu.memory_space<hbm>> -> memref<80x128xf32, #tpu.memory_space<hbm>>
    tpu.enqueue_dma source(%dma_start3A_65 : memref<80x128xf32, #tpu.memory_space<hbm>>) target(%arg13 : memref<80x128xf32, #tpu.memory_space<vmem>>) target_semaphore(%arg16 : memref<!tpu.dma_semaphore, #tpu.memory_space<semaphore_mem>>)
    %scan3A_66 = arith.constant 0 : i32
    %scan3A_67 = arith.constant 31 : i32
    %scan3A_68 = arith.addi %scan3A_66, %scan3A_67 : i32
    %scan3A_69 = arith.constant 1 : i32
    scf.for %scan3A_86 = %scan3A_66 to %scan3A_68 step %scan3A_69  : i32 {
      %mul3A_87 = arith.constant 1 : i32
      %mul3A_88 = arith.muli %scan3A_86, %mul3A_87 : i32
      %add3A_89 = arith.constant 0 : i32
      %add3A_90 = arith.addi %add3A_89, %mul3A_88 : i32
      %mul3A_91 = arith.constant 2 : i32
      %mul3A_92 = arith.muli %add3A_90, %mul3A_91 : i32
      %add3A_93 = arith.constant 1 : i32
      %add3A_94 = arith.addi %mul3A_92, %add3A_93 : i32
      %mul3A_95 = arith.constant 80 : i32
      %mul3A_96 = arith.muli %add3A_94, %mul3A_95 : i32
      %add3A_97 = arith.addi %mul3A_2, %mul3A_96 : i32
      %multiple_of3A_98 = tpu.assume_multiple %add3A_97, 8 : i32
      %dma_start3A_99 = arith.constant 0 : i32
      %dma_start3A_100 = tpu.memref_slice %arg5[%multiple_of3A_98, %dma_start3A_99] : memref<160000x128xf32, #tpu.memory_space<hbm>> -> memref<80x128xf32, #tpu.memory_space<hbm>>
      %dma_start3A_101 = arith.constant 0 : i32
      %dma_start3A_102 = tpu.memref_slice %arg5[%multiple_of3A_98, %dma_start3A_101] : memref<160000x128xf32, #tpu.memory_space<hbm>> -> memref<80x128xf32, #tpu.memory_space<hbm>>
      tpu.enqueue_dma source(%dma_start3A_102 : memref<80x128xf32, #tpu.memory_space<hbm>>) target(%arg14 : memref<80x128xf32, #tpu.memory_space<vmem>>) target_semaphore(%arg17 : memref<!tpu.dma_semaphore, #tpu.memory_space<semaphore_mem>>)
      %mul3A_103 = arith.constant 80 : i32
      %mul3A_104 = arith.muli %mul3A_92, %mul3A_103 : i32
      %add3A_105 = arith.addi %mul3A_2, %mul3A_104 : i32
      %multiple_of3A_106 = tpu.assume_multiple %add3A_105, 8 : i32
      %dma_wait3A = arith.constant 0 : i32
      %dma_wait3A_107 = tpu.memref_slice %arg5[%multiple_of3A_106, %dma_wait3A] : memref<160000x128xf32, #tpu.memory_space<hbm>> -> memref<80x128xf32, #tpu.memory_space<hbm>>
      %dma_wait3A_108 = arith.constant 0 : i32
      %dma_wait3A_109 = tpu.memref_slice %arg5[%multiple_of3A_106, %dma_wait3A_108] : memref<160000x128xf32, #tpu.memory_space<hbm>> -> memref<80x128xf32, #tpu.memory_space<hbm>>
      tpu.wait_dma2 semaphore(%arg16 : memref<!tpu.dma_semaphore, #tpu.memory_space<semaphore_mem>>) src(%dma_wait3A_109 : memref<80x128xf32, #tpu.memory_space<hbm>>) dst(%arg13 : memref<80x128xf32, #tpu.memory_space<vmem>>)
      "tpu.region"() ({
        %run_scoped3A_126 = tpu.sem_alloc : memref<!tpu.dma_semaphore, #tpu.memory_space<semaphore_mem>>
        %dma_start3A_127 = arith.constant 0 : i32
        %dma_start3A_128 = tpu.memref_slice %arg11[%mul3A_92, %dma_start3A_127] : memref<62x80xi32, #tpu.memory_space<vmem>> -> memref<1x80xi32, #tpu.memory_space<vmem>>
        %dma_start3A_129 = tpu.memref_squeeze %dma_start3A_128 : memref<1x80xi32, #tpu.memory_space<vmem>> -> memref<80xi32, #tpu.memory_space<vmem>>
        %dma_start3A_130 = arith.constant 0 : i32
        %dma_start3A_131 = arith.constant 0 : i32
        %dma_start3A_132 = tpu.memref_slice %arg15[%dma_start3A_130, %dma_start3A_131] : memref<10240x128xf32, #tpu.memory_space<vmem_shared>> -> memref<10240x128xf32, #tpu.memory_space<vmem_shared>>
        tpu.enqueue_indirect_dma source(%arg13 : memref<80x128xf32, #tpu.memory_space<vmem>>) target(%dma_start3A_132 : memref<10240x128xf32, #tpu.memory_space<vmem_shared>>) offsets(%dma_start3A_129 : memref<80xi32, #tpu.memory_space<vmem>>) semaphore(%run_scoped3A_126 : memref<!tpu.dma_semaphore, #tpu.memory_space<semaphore_mem>>) {add = true}
        %dma_wait3A_133 = arith.constant 0 : i32
        %dma_wait3A_134 = tpu.memref_slice %arg11[%mul3A_92, %dma_wait3A_133] : memref<62x80xi32, #tpu.memory_space<vmem>> -> memref<1x80xi32, #tpu.memory_space<vmem>>
        %dma_wait3A_135 = tpu.memref_squeeze %dma_wait3A_134 : memref<1x80xi32, #tpu.memory_space<vmem>> -> memref<80xi32, #tpu.memory_space<vmem>>
        %dma_wait3A_136 = arith.constant 0 : i32
        %dma_wait3A_137 = arith.constant 0 : i32
        %dma_wait3A_138 = tpu.memref_slice %arg15[%dma_wait3A_136, %dma_wait3A_137] : memref<10240x128xf32, #tpu.memory_space<vmem_shared>> -> memref<10240x128xf32, #tpu.memory_space<vmem_shared>>
        tpu.wait_indirect_dma semaphore(%run_scoped3A_126 : memref<!tpu.dma_semaphore, #tpu.memory_space<semaphore_mem>>) src(%arg13 : memref<80x128xf32, #tpu.memory_space<vmem>>) dst(%dma_wait3A_138 : memref<10240x128xf32, #tpu.memory_space<vmem_shared>>)
        tpu.yield
      }) : () -> ()
      %add3A_110 = arith.constant 2 : i32
      %add3A_111 = arith.addi %mul3A_92, %add3A_110 : i32
      %lt3A = arith.constant 62 : i32
      %lt3A_112 = arith.cmpi slt, %add3A_111, %lt3A : i32
      %convert_element_type3A = arith.extui %lt3A_112 : i1 to i32
      %cond3A = arith.constant 0 : i32
      %cond3A_113 = arith.cmpi ne, %convert_element_type3A, %cond3A : i32
      scf.if %cond3A_113 {
        %add3A_126 = arith.constant 2 : i32
        %add3A_127 = arith.addi %mul3A_92, %add3A_126 : i32
        %mul3A_128 = arith.constant 80 : i32
        %mul3A_129 = arith.muli %add3A_127, %mul3A_128 : i32
        %add3A_130 = arith.addi %mul3A_2, %mul3A_129 : i32
        %multiple_of3A_131 = tpu.assume_multiple %add3A_130, 8 : i32
        %dma_start3A_132 = arith.constant 0 : i32
        %dma_start3A_133 = tpu.memref_slice %arg5[%multiple_of3A_131, %dma_start3A_132] : memref<160000x128xf32, #tpu.memory_space<hbm>> -> memref<80x128xf32, #tpu.memory_space<hbm>>
        %dma_start3A_134 = arith.constant 0 : i32
        %dma_start3A_135 = tpu.memref_slice %arg5[%multiple_of3A_131, %dma_start3A_134] : memref<160000x128xf32, #tpu.memory_space<hbm>> -> memref<80x128xf32, #tpu.memory_space<hbm>>
        tpu.enqueue_dma source(%dma_start3A_135 : memref<80x128xf32, #tpu.memory_space<hbm>>) target(%arg13 : memref<80x128xf32, #tpu.memory_space<vmem>>) target_semaphore(%arg16 : memref<!tpu.dma_semaphore, #tpu.memory_space<semaphore_mem>>)
      } else {
      }
      %add3A_114 = arith.constant 1 : i32
      %add3A_115 = arith.addi %mul3A_92, %add3A_114 : i32
      %mul3A_116 = arith.constant 80 : i32
      %mul3A_117 = arith.muli %add3A_115, %mul3A_116 : i32
      %add3A_118 = arith.addi %mul3A_2, %mul3A_117 : i32
      %multiple_of3A_119 = tpu.assume_multiple %add3A_118, 8 : i32
      %dma_wait3A_120 = arith.constant 0 : i32
      %dma_wait3A_121 = tpu.memref_slice %arg5[%multiple_of3A_119, %dma_wait3A_120] : memref<160000x128xf32, #tpu.memory_space<hbm>> -> memref<80x128xf32, #tpu.memory_space<hbm>>
      %dma_wait3A_122 = arith.constant 0 : i32
      %dma_wait3A_123 = tpu.memref_slice %arg5[%multiple_of3A_119, %dma_wait3A_122] : memref<160000x128xf32, #tpu.memory_space<hbm>> -> memref<80x128xf32, #tpu.memory_space<hbm>>
      tpu.wait_dma2 semaphore(%arg17 : memref<!tpu.dma_semaphore, #tpu.memory_space<semaphore_mem>>) src(%dma_wait3A_123 : memref<80x128xf32, #tpu.memory_space<hbm>>) dst(%arg14 : memref<80x128xf32, #tpu.memory_space<vmem>>)
      %add3A_124 = arith.constant 1 : i32
      %add3A_125 = arith.addi %mul3A_92, %add3A_124 : i32
      "tpu.region"() ({
        %run_scoped3A_126 = tpu.sem_alloc : memref<!tpu.dma_semaphore, #tpu.memory_space<semaphore_mem>>
        %dma_start3A_127 = arith.constant 0 : i32
        %dma_start3A_128 = tpu.memref_slice %arg11[%add3A_125, %dma_start3A_127] : memref<62x80xi32, #tpu.memory_space<vmem>> -> memref<1x80xi32, #tpu.memory_space<vmem>>
        %dma_start3A_129 = tpu.memref_squeeze %dma_start3A_128 : memref<1x80xi32, #tpu.memory_space<vmem>> -> memref<80xi32, #tpu.memory_space<vmem>>
        %dma_start3A_130 = arith.constant 0 : i32
        %dma_start3A_131 = arith.constant 0 : i32
        %dma_start3A_132 = tpu.memref_slice %arg15[%dma_start3A_130, %dma_start3A_131] : memref<10240x128xf32, #tpu.memory_space<vmem_shared>> -> memref<10240x128xf32, #tpu.memory_space<vmem_shared>>
        tpu.enqueue_indirect_dma source(%arg14 : memref<80x128xf32, #tpu.memory_space<vmem>>) target(%dma_start3A_132 : memref<10240x128xf32, #tpu.memory_space<vmem_shared>>) offsets(%dma_start3A_129 : memref<80xi32, #tpu.memory_space<vmem>>) semaphore(%run_scoped3A_126 : memref<!tpu.dma_semaphore, #tpu.memory_space<semaphore_mem>>) {add = true}
        %dma_wait3A_133 = arith.constant 0 : i32
        %dma_wait3A_134 = tpu.memref_slice %arg11[%add3A_125, %dma_wait3A_133] : memref<62x80xi32, #tpu.memory_space<vmem>> -> memref<1x80xi32, #tpu.memory_space<vmem>>
        %dma_wait3A_135 = tpu.memref_squeeze %dma_wait3A_134 : memref<1x80xi32, #tpu.memory_space<vmem>> -> memref<80xi32, #tpu.memory_space<vmem>>
        %dma_wait3A_136 = arith.constant 0 : i32
        %dma_wait3A_137 = arith.constant 0 : i32
        %dma_wait3A_138 = tpu.memref_slice %arg15[%dma_wait3A_136, %dma_wait3A_137] : memref<10240x128xf32, #tpu.memory_space<vmem_shared>> -> memref<10240x128xf32, #tpu.memory_space<vmem_shared>>
        tpu.wait_indirect_dma semaphore(%run_scoped3A_126 : memref<!tpu.dma_semaphore, #tpu.memory_space<semaphore_mem>>) src(%arg14 : memref<80x128xf32, #tpu.memory_space<vmem>>) dst(%dma_wait3A_138 : memref<10240x128xf32, #tpu.memory_space<vmem_shared>>)
        tpu.yield
      }) : () -> ()
    }
    %scan3A_70 = arith.constant 31 : i32
    %add3A_71 = arith.constant 4960 : i32
    %add3A_72 = arith.addi %mul3A_2, %add3A_71 : i32
    %multiple_of3A_73 = tpu.assume_multiple %add3A_72, 8 : i32
    "tpu.region"() ({
      %run_scoped3A_86 = tpu.sem_alloc : memref<!tpu.dma_semaphore, #tpu.memory_space<semaphore_mem>>
      %dma_start3A_87 = arith.constant 0 : i32
      %dma_start3A_88 = arith.constant 0 : i32
      %dma_start3A_89 = tpu.memref_slice %arg13[%dma_start3A_87, %dma_start3A_88] : memref<80x128xf32, #tpu.memory_space<vmem>> -> memref<40x128xf32, #tpu.memory_space<vmem>>
      %dma_start3A_90 = arith.constant 0 : i32
      %dma_start3A_91 = tpu.memref_slice %arg5[%multiple_of3A_73, %dma_start3A_90] : memref<160000x128xf32, #tpu.memory_space<hbm>> -> memref<40x128xf32, #tpu.memory_space<hbm>>
      %dma_start3A_92 = arith.constant 0 : i32
      %dma_start3A_93 = arith.constant 0 : i32
      %dma_start3A_94 = tpu.memref_slice %arg13[%dma_start3A_92, %dma_start3A_93] : memref<80x128xf32, #tpu.memory_space<vmem>> -> memref<40x128xf32, #tpu.memory_space<vmem>>
      %dma_start3A_95 = arith.constant 0 : i32
      %dma_start3A_96 = tpu.memref_slice %arg5[%multiple_of3A_73, %dma_start3A_95] : memref<160000x128xf32, #tpu.memory_space<hbm>> -> memref<40x128xf32, #tpu.memory_space<hbm>>
      tpu.enqueue_dma source(%dma_start3A_96 : memref<40x128xf32, #tpu.memory_space<hbm>>) target(%dma_start3A_94 : memref<40x128xf32, #tpu.memory_space<vmem>>) target_semaphore(%run_scoped3A_86 : memref<!tpu.dma_semaphore, #tpu.memory_space<semaphore_mem>>)
      %dma_wait3A = arith.constant 0 : i32
      %dma_wait3A_97 = arith.constant 0 : i32
      %dma_wait3A_98 = tpu.memref_slice %arg13[%dma_wait3A, %dma_wait3A_97] : memref<80x128xf32, #tpu.memory_space<vmem>> -> memref<40x128xf32, #tpu.memory_space<vmem>>
      %dma_wait3A_99 = arith.constant 0 : i32
      %dma_wait3A_100 = tpu.memref_slice %arg5[%multiple_of3A_73, %dma_wait3A_99] : memref<160000x128xf32, #tpu.memory_space<hbm>> -> memref<40x128xf32, #tpu.memory_space<hbm>>
      %dma_wait3A_101 = arith.constant 0 : i32
      %dma_wait3A_102 = arith.constant 0 : i32
      %dma_wait3A_103 = tpu.memref_slice %arg13[%dma_wait3A_101, %dma_wait3A_102] : memref<80x128xf32, #tpu.memory_space<vmem>> -> memref<40x128xf32, #tpu.memory_space<vmem>>
      %dma_wait3A_104 = arith.constant 0 : i32
      %dma_wait3A_105 = tpu.memref_slice %arg5[%multiple_of3A_73, %dma_wait3A_104] : memref<160000x128xf32, #tpu.memory_space<hbm>> -> memref<40x128xf32, #tpu.memory_space<hbm>>
      tpu.wait_dma2 semaphore(%run_scoped3A_86 : memref<!tpu.dma_semaphore, #tpu.memory_space<semaphore_mem>>) src(%dma_wait3A_105 : memref<40x128xf32, #tpu.memory_space<hbm>>) dst(%dma_wait3A_103 : memref<40x128xf32, #tpu.memory_space<vmem>>)
      tpu.yield
    }) : () -> ()
    %run_scoped3A_74 = arith.constant 0 : i32
    "tpu.region"() ({
      %run_scoped3A_86 = tpu.sem_alloc : memref<!tpu.dma_semaphore, #tpu.memory_space<semaphore_mem>>
      %dma_start3A_87 = arith.constant 0 : i32
      %dma_start3A_88 = arith.constant 0 : i32
      %dma_start3A_89 = tpu.memref_slice %arg13[%dma_start3A_87, %dma_start3A_88] : memref<80x128xf32, #tpu.memory_space<vmem>> -> memref<40x128xf32, #tpu.memory_space<vmem>>
      %dma_start3A_90 = arith.constant 0 : i32
      %dma_start3A_91 = tpu.memref_slice %arg12[%run_scoped3A_74, %dma_start3A_90] : memref<1x40xi32, #tpu.memory_space<vmem>> -> memref<1x40xi32, #tpu.memory_space<vmem>>
      %dma_start3A_92 = tpu.memref_squeeze %dma_start3A_91 : memref<1x40xi32, #tpu.memory_space<vmem>> -> memref<40xi32, #tpu.memory_space<vmem>>
      %dma_start3A_93 = arith.constant 0 : i32
      %dma_start3A_94 = arith.constant 0 : i32
      %dma_start3A_95 = tpu.memref_slice %arg15[%dma_start3A_93, %dma_start3A_94] : memref<10240x128xf32, #tpu.memory_space<vmem_shared>> -> memref<10240x128xf32, #tpu.memory_space<vmem_shared>>
      tpu.enqueue_indirect_dma source(%dma_start3A_89 : memref<40x128xf32, #tpu.memory_space<vmem>>) target(%dma_start3A_95 : memref<10240x128xf32, #tpu.memory_space<vmem_shared>>) offsets(%dma_start3A_92 : memref<40xi32, #tpu.memory_space<vmem>>) semaphore(%run_scoped3A_86 : memref<!tpu.dma_semaphore, #tpu.memory_space<semaphore_mem>>) {add = true}
      %dma_wait3A = arith.constant 0 : i32
      %dma_wait3A_96 = arith.constant 0 : i32
      %dma_wait3A_97 = tpu.memref_slice %arg13[%dma_wait3A, %dma_wait3A_96] : memref<80x128xf32, #tpu.memory_space<vmem>> -> memref<40x128xf32, #tpu.memory_space<vmem>>
      %dma_wait3A_98 = arith.constant 0 : i32
      %dma_wait3A_99 = tpu.memref_slice %arg12[%run_scoped3A_74, %dma_wait3A_98] : memref<1x40xi32, #tpu.memory_space<vmem>> -> memref<1x40xi32, #tpu.memory_space<vmem>>
      %dma_wait3A_100 = tpu.memref_squeeze %dma_wait3A_99 : memref<1x40xi32, #tpu.memory_space<vmem>> -> memref<40xi32, #tpu.memory_space<vmem>>
      %dma_wait3A_101 = arith.constant 0 : i32
      %dma_wait3A_102 = arith.constant 0 : i32
      %dma_wait3A_103 = tpu.memref_slice %arg15[%dma_wait3A_101, %dma_wait3A_102] : memref<10240x128xf32, #tpu.memory_space<vmem_shared>> -> memref<10240x128xf32, #tpu.memory_space<vmem_shared>>
      tpu.wait_indirect_dma semaphore(%run_scoped3A_86 : memref<!tpu.dma_semaphore, #tpu.memory_space<semaphore_mem>>) src(%dma_wait3A_97 : memref<40x128xf32, #tpu.memory_space<vmem>>) dst(%dma_wait3A_103 : memref<10240x128xf32, #tpu.memory_space<vmem_shared>>)
      tpu.yield
    }) : () -> ()
    %barrier3A_75 = arith.constant 0 : index
    tpu.barrier barrier_id(%barrier3A_75)
    %run_scoped3A_76 = arith.constant 3 : i32
    "tpu.region"() ({
      %run_scoped3A_86 = tpu.sem_alloc : memref<!tpu.dma_semaphore, #tpu.memory_space<semaphore_mem>>
      %dma_start3A_87 = arith.constant 0 : i32
      %dma_start3A_88 = tpu.memref_slice %arg10[%arg0, %run_scoped3A_76, %multiple_of3A, %dma_start3A_87] : memref<2x5x10240x128xf32, #tpu.memory_space<hbm>> -> memref<1x1x640x128xf32, #tpu.memory_space<hbm>>
      %dma_start3A_89 = tpu.memref_squeeze %dma_start3A_88 : memref<1x1x640x128xf32, #tpu.memory_space<hbm>> -> memref<640x128xf32, #tpu.memory_space<hbm>>
      %dma_start3A_90 = arith.constant 0 : i32
      %dma_start3A_91 = tpu.memref_slice %arg15[%multiple_of3A, %dma_start3A_90] : memref<10240x128xf32, #tpu.memory_space<vmem_shared>> -> memref<640x128xf32, #tpu.memory_space<vmem_shared>>
      tpu.enqueue_dma source(%dma_start3A_91 : memref<640x128xf32, #tpu.memory_space<vmem_shared>>) target(%dma_start3A_89 : memref<640x128xf32, #tpu.memory_space<hbm>>) target_semaphore(%run_scoped3A_86 : memref<!tpu.dma_semaphore, #tpu.memory_space<semaphore_mem>>)
      %dma_wait3A = arith.constant 0 : i32
      %dma_wait3A_92 = tpu.memref_slice %arg10[%arg0, %run_scoped3A_76, %multiple_of3A, %dma_wait3A] : memref<2x5x10240x128xf32, #tpu.memory_space<hbm>> -> memref<1x1x640x128xf32, #tpu.memory_space<hbm>>
      %dma_wait3A_93 = tpu.memref_squeeze %dma_wait3A_92 : memref<1x1x640x128xf32, #tpu.memory_space<hbm>> -> memref<640x128xf32, #tpu.memory_space<hbm>>
      %dma_wait3A_94 = arith.constant 0 : i32
      %dma_wait3A_95 = tpu.memref_slice %arg15[%multiple_of3A, %dma_wait3A_94] : memref<10240x128xf32, #tpu.memory_space<vmem_shared>> -> memref<640x128xf32, #tpu.memory_space<vmem_shared>>
      tpu.wait_dma2 semaphore(%run_scoped3A_86 : memref<!tpu.dma_semaphore, #tpu.memory_space<semaphore_mem>>) src(%dma_wait3A_95 : memref<640x128xf32, #tpu.memory_space<vmem_shared>>) dst(%dma_wait3A_93 : memref<640x128xf32, #tpu.memory_space<hbm>>)
      tpu.yield
    }) : () -> ()
    "tpu.region"() ({
      %run_scoped3A_86 = tpu.sem_alloc : memref<!tpu.dma_semaphore, #tpu.memory_space<semaphore_mem>>
      %dma_start3A_87 = arith.constant 0 : i32
      %dma_start3A_88 = tpu.memref_slice %arg15[%multiple_of3A, %dma_start3A_87] : memref<10240x128xf32, #tpu.memory_space<vmem_shared>> -> memref<640x128xf32, #tpu.memory_space<vmem_shared>>
      tpu.enqueue_dma source(%arg8 : memref<640x128xf32, #tpu.memory_space<hbm>>) target(%dma_start3A_88 : memref<640x128xf32, #tpu.memory_space<vmem_shared>>) target_semaphore(%run_scoped3A_86 : memref<!tpu.dma_semaphore, #tpu.memory_space<semaphore_mem>>)
      %dma_wait3A = arith.constant 0 : i32
      %dma_wait3A_89 = tpu.memref_slice %arg15[%multiple_of3A, %dma_wait3A] : memref<10240x128xf32, #tpu.memory_space<vmem_shared>> -> memref<640x128xf32, #tpu.memory_space<vmem_shared>>
      tpu.wait_dma2 semaphore(%run_scoped3A_86 : memref<!tpu.dma_semaphore, #tpu.memory_space<semaphore_mem>>) src(%arg8 : memref<640x128xf32, #tpu.memory_space<hbm>>) dst(%dma_wait3A_89 : memref<640x128xf32, #tpu.memory_space<vmem_shared>>)
      tpu.yield
    }) : () -> ()
    %barrier3A_77 = arith.constant 0 : index
    tpu.barrier barrier_id(%barrier3A_77)
    "tpu.region"() ({
      %run_scoped3A_86 = tpu.sem_alloc : memref<!tpu.dma_semaphore, #tpu.memory_space<semaphore_mem>>
      tpu.enqueue_dma source(%arg9 : memref<80x128xf32, #tpu.memory_space<hbm>>) target(%arg13 : memref<80x128xf32, #tpu.memory_space<vmem>>) target_semaphore(%run_scoped3A_86 : memref<!tpu.dma_semaphore, #tpu.memory_space<semaphore_mem>>)
      tpu.wait_dma2 semaphore(%run_scoped3A_86 : memref<!tpu.dma_semaphore, #tpu.memory_space<semaphore_mem>>) src(%arg9 : memref<80x128xf32, #tpu.memory_space<hbm>>) dst(%arg13 : memref<80x128xf32, #tpu.memory_space<vmem>>)
      tpu.yield
    }) : () -> ()
    %scan3A_78 = arith.constant 0 : i32
    %scan3A_79 = arith.constant 62 : i32
    %scan3A_80 = arith.addi %scan3A_78, %scan3A_79 : i32
    %scan3A_81 = arith.constant 1 : i32
    scf.for %scan3A_86 = %scan3A_78 to %scan3A_80 step %scan3A_81  : i32 {
      %mul3A_87 = arith.constant 1 : i32
      %mul3A_88 = arith.muli %scan3A_86, %mul3A_87 : i32
      %add3A_89 = arith.constant 0 : i32
      %add3A_90 = arith.addi %add3A_89, %mul3A_88 : i32
      "tpu.region"() ({
        %run_scoped3A_91 = tpu.sem_alloc : memref<!tpu.dma_semaphore, #tpu.memory_space<semaphore_mem>>
        %dma_start3A_92 = arith.constant 0 : i32
        %dma_start3A_93 = tpu.memref_slice %arg11[%add3A_90, %dma_start3A_92] : memref<62x80xi32, #tpu.memory_space<vmem>> -> memref<1x80xi32, #tpu.memory_space<vmem>>
        %dma_start3A_94 = tpu.memref_squeeze %dma_start3A_93 : memref<1x80xi32, #tpu.memory_space<vmem>> -> memref<80xi32, #tpu.memory_space<vmem>>
        %dma_start3A_95 = arith.constant 0 : i32
        %dma_start3A_96 = arith.constant 0 : i32
        %dma_start3A_97 = tpu.memref_slice %arg15[%dma_start3A_95, %dma_start3A_96] : memref<10240x128xf32, #tpu.memory_space<vmem_shared>> -> memref<10240x128xf32, #tpu.memory_space<vmem_shared>>
        tpu.enqueue_indirect_dma source(%arg13 : memref<80x128xf32, #tpu.memory_space<vmem>>) target(%dma_start3A_97 : memref<10240x128xf32, #tpu.memory_space<vmem_shared>>) offsets(%dma_start3A_94 : memref<80xi32, #tpu.memory_space<vmem>>) semaphore(%run_scoped3A_91 : memref<!tpu.dma_semaphore, #tpu.memory_space<semaphore_mem>>) {add = true}
        %dma_wait3A = arith.constant 0 : i32
        %dma_wait3A_98 = tpu.memref_slice %arg11[%add3A_90, %dma_wait3A] : memref<62x80xi32, #tpu.memory_space<vmem>> -> memref<1x80xi32, #tpu.memory_space<vmem>>
        %dma_wait3A_99 = tpu.memref_squeeze %dma_wait3A_98 : memref<1x80xi32, #tpu.memory_space<vmem>> -> memref<80xi32, #tpu.memory_space<vmem>>
        %dma_wait3A_100 = arith.constant 0 : i32
        %dma_wait3A_101 = arith.constant 0 : i32
        %dma_wait3A_102 = tpu.memref_slice %arg15[%dma_wait3A_100, %dma_wait3A_101] : memref<10240x128xf32, #tpu.memory_space<vmem_shared>> -> memref<10240x128xf32, #tpu.memory_space<vmem_shared>>
        tpu.wait_indirect_dma semaphore(%run_scoped3A_91 : memref<!tpu.dma_semaphore, #tpu.memory_space<semaphore_mem>>) src(%arg13 : memref<80x128xf32, #tpu.memory_space<vmem>>) dst(%dma_wait3A_102 : memref<10240x128xf32, #tpu.memory_space<vmem_shared>>)
        tpu.yield
      }) : () -> ()
    }
    %scan3A_82 = arith.constant 62 : i32
    %run_scoped3A_83 = arith.constant 0 : i32
    "tpu.region"() ({
      %run_scoped3A_86 = tpu.sem_alloc : memref<!tpu.dma_semaphore, #tpu.memory_space<semaphore_mem>>
      %dma_start3A_87 = arith.constant 0 : i32
      %dma_start3A_88 = arith.constant 0 : i32
      %dma_start3A_89 = tpu.memref_slice %arg13[%dma_start3A_87, %dma_start3A_88] : memref<80x128xf32, #tpu.memory_space<vmem>> -> memref<40x128xf32, #tpu.memory_space<vmem>>
      %dma_start3A_90 = arith.constant 0 : i32
      %dma_start3A_91 = tpu.memref_slice %arg12[%run_scoped3A_83, %dma_start3A_90] : memref<1x40xi32, #tpu.memory_space<vmem>> -> memref<1x40xi32, #tpu.memory_space<vmem>>
      %dma_start3A_92 = tpu.memref_squeeze %dma_start3A_91 : memref<1x40xi32, #tpu.memory_space<vmem>> -> memref<40xi32, #tpu.memory_space<vmem>>
      %dma_start3A_93 = arith.constant 0 : i32
      %dma_start3A_94 = arith.constant 0 : i32
      %dma_start3A_95 = tpu.memref_slice %arg15[%dma_start3A_93, %dma_start3A_94] : memref<10240x128xf32, #tpu.memory_space<vmem_shared>> -> memref<10240x128xf32, #tpu.memory_space<vmem_shared>>
      tpu.enqueue_indirect_dma source(%dma_start3A_89 : memref<40x128xf32, #tpu.memory_space<vmem>>) target(%dma_start3A_95 : memref<10240x128xf32, #tpu.memory_space<vmem_shared>>) offsets(%dma_start3A_92 : memref<40xi32, #tpu.memory_space<vmem>>) semaphore(%run_scoped3A_86 : memref<!tpu.dma_semaphore, #tpu.memory_space<semaphore_mem>>) {add = true}
      %dma_wait3A = arith.constant 0 : i32
      %dma_wait3A_96 = arith.constant 0 : i32
      %dma_wait3A_97 = tpu.memref_slice %arg13[%dma_wait3A, %dma_wait3A_96] : memref<80x128xf32, #tpu.memory_space<vmem>> -> memref<40x128xf32, #tpu.memory_space<vmem>>
      %dma_wait3A_98 = arith.constant 0 : i32
      %dma_wait3A_99 = tpu.memref_slice %arg12[%run_scoped3A_83, %dma_wait3A_98] : memref<1x40xi32, #tpu.memory_space<vmem>> -> memref<1x40xi32, #tpu.memory_space<vmem>>
      %dma_wait3A_100 = tpu.memref_squeeze %dma_wait3A_99 : memref<1x40xi32, #tpu.memory_space<vmem>> -> memref<40xi32, #tpu.memory_space<vmem>>
      %dma_wait3A_101 = arith.constant 0 : i32
      %dma_wait3A_102 = arith.constant 0 : i32
      %dma_wait3A_103 = tpu.memref_slice %arg15[%dma_wait3A_101, %dma_wait3A_102] : memref<10240x128xf32, #tpu.memory_space<vmem_shared>> -> memref<10240x128xf32, #tpu.memory_space<vmem_shared>>
      tpu.wait_indirect_dma semaphore(%run_scoped3A_86 : memref<!tpu.dma_semaphore, #tpu.memory_space<semaphore_mem>>) src(%dma_wait3A_97 : memref<40x128xf32, #tpu.memory_space<vmem>>) dst(%dma_wait3A_103 : memref<10240x128xf32, #tpu.memory_space<vmem_shared>>)
      tpu.yield
    }) : () -> ()
    %barrier3A_84 = arith.constant 0 : index
    tpu.barrier barrier_id(%barrier3A_84)
    %run_scoped3A_85 = arith.constant 4 : i32
    "tpu.region"() ({
      %run_scoped3A_86 = tpu.sem_alloc : memref<!tpu.dma_semaphore, #tpu.memory_space<semaphore_mem>>
      %dma_start3A_87 = arith.constant 0 : i32
      %dma_start3A_88 = tpu.memref_slice %arg10[%arg0, %run_scoped3A_85, %multiple_of3A, %dma_start3A_87] : memref<2x5x10240x128xf32, #tpu.memory_space<hbm>> -> memref<1x1x640x128xf32, #tpu.memory_space<hbm>>
      %dma_start3A_89 = tpu.memref_squeeze %dma_start3A_88 : memref<1x1x640x128xf32, #tpu.memory_space<hbm>> -> memref<640x128xf32, #tpu.memory_space<hbm>>
      %dma_start3A_90 = arith.constant 0 : i32
      %dma_start3A_91 = tpu.memref_slice %arg15[%multiple_of3A, %dma_start3A_90] : memref<10240x128xf32, #tpu.memory_space<vmem_shared>> -> memref<640x128xf32, #tpu.memory_space<vmem_shared>>
      tpu.enqueue_dma source(%dma_start3A_91 : memref<640x128xf32, #tpu.memory_space<vmem_shared>>) target(%dma_start3A_89 : memref<640x128xf32, #tpu.memory_space<hbm>>) target_semaphore(%run_scoped3A_86 : memref<!tpu.dma_semaphore, #tpu.memory_space<semaphore_mem>>)
      %dma_wait3A = arith.constant 0 : i32
      %dma_wait3A_92 = tpu.memref_slice %arg10[%arg0, %run_scoped3A_85, %multiple_of3A, %dma_wait3A] : memref<2x5x10240x128xf32, #tpu.memory_space<hbm>> -> memref<1x1x640x128xf32, #tpu.memory_space<hbm>>
      %dma_wait3A_93 = tpu.memref_squeeze %dma_wait3A_92 : memref<1x1x640x128xf32, #tpu.memory_space<hbm>> -> memref<640x128xf32, #tpu.memory_space<hbm>>
      %dma_wait3A_94 = arith.constant 0 : i32
      %dma_wait3A_95 = tpu.memref_slice %arg15[%multiple_of3A, %dma_wait3A_94] : memref<10240x128xf32, #tpu.memory_space<vmem_shared>> -> memref<640x128xf32, #tpu.memory_space<vmem_shared>>
      tpu.wait_dma2 semaphore(%run_scoped3A_86 : memref<!tpu.dma_semaphore, #tpu.memory_space<semaphore_mem>>) src(%dma_wait3A_95 : memref<640x128xf32, #tpu.memory_space<vmem_shared>>) dst(%dma_wait3A_93 : memref<640x128xf32, #tpu.memory_space<hbm>>)
      tpu.yield
    }) : () -> ()
    return
  }
}

module attributes {stable_mosaic.version = 14 : i64} {
  func.func @_edge_body(%arg0: i32, %arg1: memref<50x1xf32, #tpu.memory_space<vmem>>, %arg2: memref<50x128xf32, #tpu.memory_space<vmem>>, %arg3: memref<1x128xf32, #tpu.memory_space<vmem>>, %arg4: memref<128x128xf32, #tpu.memory_space<vmem>>, %arg5: memref<1x128xf32, #tpu.memory_space<vmem>>, %arg6: memref<128x256xf32, #tpu.memory_space<vmem>>, %arg7: memref<1x256xf32, #tpu.memory_space<vmem>>, %arg8: memref<3x384xf32, #tpu.memory_space<vmem>>, %arg9: memref<1x1x1000xf32, #tpu.memory_space<vmem>>, %arg10: memref<1000x128xf32, #tpu.memory_space<vmem>>, %arg11: memref<1000x1x1x128xf32, #tpu.memory_space<vmem>>, %arg12: memref<1000x1x1x128xf32, #tpu.memory_space<vmem>>, %arg13: memref<1000x1x1x128xf32, #tpu.memory_space<vmem>>, %arg14: memref<1x3x1000xf32, #tpu.memory_space<vmem>>, %arg15: memref<1000x128xf32, #tpu.memory_space<vmem>>, %arg16: memref<1000x128xf32, #tpu.memory_space<vmem>>, %arg17: memref<1000x128xf32, #tpu.memory_space<vmem>>, %arg18: memref<1000x128xf32, #tpu.memory_space<vmem>>) attributes {dimension_semantics = [#tpu.dimension_semantics<arbitrary>], iteration_bounds = array<i64: 160>, scalar_prefetch = 0 : i64, scratch_operands = 0 : i64, tpu.core_type = #tpu.core_type<tc>, window_params = [{pipeline_mode = #tpu.pipeline_mode<synchronous>, transform_indices = @transform_0, window_bounds = array<i64: 50, 1>}, {pipeline_mode = #tpu.pipeline_mode<synchronous>, transform_indices = @transform_1, window_bounds = array<i64: 50, 128>}, {pipeline_mode = #tpu.pipeline_mode<synchronous>, transform_indices = @transform_2, window_bounds = array<i64: 1, 128>}, {pipeline_mode = #tpu.pipeline_mode<synchronous>, transform_indices = @transform_3, window_bounds = array<i64: 128, 128>}, {pipeline_mode = #tpu.pipeline_mode<synchronous>, transform_indices = @transform_4, window_bounds = array<i64: 1, 128>}, {pipeline_mode = #tpu.pipeline_mode<synchronous>, transform_indices = @transform_5, window_bounds = array<i64: 128, 256>}, {pipeline_mode = #tpu.pipeline_mode<synchronous>, transform_indices = @transform_6, window_bounds = array<i64: 1, 256>}, {pipeline_mode = #tpu.pipeline_mode<synchronous>, transform_indices = @transform_7, window_bounds = array<i64: 3, 384>}, {transform_indices = @transform_8, window_bounds = array<i64: 1, 1, 1000>}, {transform_indices = @transform_9, window_bounds = array<i64: 1000, 128>}, {transform_indices = @transform_10, window_bounds = array<i64: 1000, 1, 1, 128>}, {transform_indices = @transform_11, window_bounds = array<i64: 1000, 1, 1, 128>}, {transform_indices = @transform_12, window_bounds = array<i64: 1000, 1, 1, 128>}, {transform_indices = @transform_13, window_bounds = array<i64: 1, 3, 1000>}, {transform_indices = @transform_14, window_bounds = array<i64: 1000, 128>}, {transform_indices = @transform_15, window_bounds = array<i64: 1000, 128>}, {transform_indices = @transform_16, window_bounds = array<i64: 1000, 128>}, {transform_indices = @transform_17, window_bounds = array<i64: 1000, 128>}]} {
    %get3A = arith.constant 0 : index
    %get3A_0 = arith.constant 0 : index
    %get3A_1 = arith.constant 0 : index
    %get3A_2 = vector.load %arg9[%get3A, %get3A_0, %get3A_1] : memref<1x1x1000xf32, #tpu.memory_space<vmem>>, vector<1x1x1000xf32>
    %reshape3A = vector.shape_cast %get3A_2 : vector<1x1x1000xf32> to vector<1x1000xf32>
    %get3A_3 = arith.constant 0 : index
    %get3A_4 = arith.constant 0 : index
    %get3A_5 = vector.load %arg1[%get3A_3, %get3A_4] : memref<50x1xf32, #tpu.memory_space<vmem>>, vector<50x1xf32>
    %sub3A = vector.broadcast %reshape3A : vector<1x1000xf32> to vector<50x1000xf32>
    %sub3A_6 = vector.broadcast %get3A_5 : vector<50x1xf32> to vector<50x1000xf32>
    %sub3A_7 = arith.subf %sub3A, %sub3A_6 : vector<50x1000xf32>
    %integer_pow3A = arith.mulf %sub3A_7, %sub3A_7 : vector<50x1000xf32>
    %mul3A = arith.constant -4.802000e+01 : f32
    %mul3A_8 = vector.broadcast %mul3A : f32 to vector<50x1000xf32>
    %mul3A_9 = arith.mulf %mul3A_8, %integer_pow3A : vector<50x1000xf32>
    %exp3A = math.exp %mul3A_9 : vector<50x1000xf32>
    %get3A_10 = arith.constant 0 : index
    %get3A_11 = arith.constant 0 : index
    %get3A_12 = vector.load %arg2[%get3A_10, %get3A_11] : memref<50x128xf32, #tpu.memory_space<vmem>>, vector<50x128xf32>
    %dot_general3A = arith.constant dense<0.000000e+00> : vector<1000x128xf32>
    %dot_general3A_13 = tpu.matmul %exp3A, %get3A_12, %dot_general3A {dimension_numbers = #tpu.dot_dimension_numbers<[0], [0], [1], [1], [0, 1, 1, 1], [], []>, transpose_lhs_hint = false} : vector<50x1000xf32>, vector<50x128xf32>, vector<1000x128xf32> -> vector<1000x128xf32>
    %get3A_14 = arith.constant 0 : index
    %get3A_15 = arith.constant 0 : index
    %get3A_16 = vector.load %arg3[%get3A_14, %get3A_15] : memref<1x128xf32, #tpu.memory_space<vmem>>, vector<1x128xf32>
    %add3A = vector.broadcast %get3A_16 : vector<1x128xf32> to vector<1000x128xf32>
    %add3A_17 = arith.addf %dot_general3A_13, %add3A : vector<1000x128xf32>
    %max3A = arith.constant 0.000000e+00 : f32
    %max3A_18 = vector.broadcast %max3A : f32 to vector<1000x128xf32>
    %max3A_19 = arith.maximumf %add3A_17, %max3A_18 : vector<1000x128xf32>
    %abs3A = math.absf %add3A_17 : vector<1000x128xf32>
    %neg3A = arith.constant 0.000000e+00 : f32
    %neg3A_20 = vector.broadcast %neg3A : f32 to vector<1000x128xf32>
    %neg3A_21 = arith.subf %neg3A_20, %abs3A : vector<1000x128xf32>
    %exp3A_22 = math.exp %neg3A_21 : vector<1000x128xf32>
    %log1p3A = math.log1p %exp3A_22 : vector<1000x128xf32>
    %add3A_23 = arith.addf %max3A_19, %log1p3A : vector<1000x128xf32>
    %sub3A_24 = arith.constant 0.693147182 : f32
    %sub3A_25 = vector.broadcast %sub3A_24 : f32 to vector<1000x128xf32>
    %sub3A_26 = arith.subf %add3A_23, %sub3A_25 : vector<1000x128xf32>
    %get3A_27 = arith.constant 0 : index
    %get3A_28 = arith.constant 0 : index
    %get3A_29 = vector.load %arg4[%get3A_27, %get3A_28] : memref<128x128xf32, #tpu.memory_space<vmem>>, vector<128x128xf32>
    %dot_general3A_30 = arith.constant dense<0.000000e+00> : vector<1000x128xf32>
    %dot_general3A_31 = tpu.matmul %sub3A_26, %get3A_29, %dot_general3A_30 {dimension_numbers = #tpu.dot_dimension_numbers<[1], [0], [0], [1], [0, 0, 1, 1], [], []>, transpose_lhs_hint = false} : vector<1000x128xf32>, vector<128x128xf32>, vector<1000x128xf32> -> vector<1000x128xf32>
    %get3A_32 = arith.constant 0 : index
    %get3A_33 = arith.constant 0 : index
    %get3A_34 = vector.load %arg5[%get3A_32, %get3A_33] : memref<1x128xf32, #tpu.memory_space<vmem>>, vector<1x128xf32>
    %add3A_35 = vector.broadcast %get3A_34 : vector<1x128xf32> to vector<1000x128xf32>
    %add3A_36 = arith.addf %dot_general3A_31, %add3A_35 : vector<1000x128xf32>
    %get3A_37 = arith.constant 0 : index
    %get3A_38 = arith.constant 0 : index
    %get3A_39 = vector.load %arg10[%get3A_37, %get3A_38] : memref<1000x128xf32, #tpu.memory_space<vmem>>, vector<1000x128xf32>
    %mul3A_40 = arith.mulf %get3A_39, %add3A_36 : vector<1000x128xf32>
    %get3A_41 = arith.constant 0 : index
    %get3A_42 = arith.constant 0 : index
    %get3A_43 = vector.load %arg6[%get3A_41, %get3A_42] : memref<128x256xf32, #tpu.memory_space<vmem>>, vector<128x256xf32>
    %dot_general3A_44 = arith.constant dense<0.000000e+00> : vector<1000x256xf32>
    %dot_general3A_45 = tpu.matmul %mul3A_40, %get3A_43, %dot_general3A_44 {dimension_numbers = #tpu.dot_dimension_numbers<[1], [0], [0], [1], [0, 0, 1, 1], [], []>, transpose_lhs_hint = false} : vector<1000x128xf32>, vector<128x256xf32>, vector<1000x256xf32> -> vector<1000x256xf32>
    %get3A_46 = arith.constant 0 : index
    %get3A_47 = arith.constant 0 : index
    %get3A_48 = vector.load %arg7[%get3A_46, %get3A_47] : memref<1x256xf32, #tpu.memory_space<vmem>>, vector<1x256xf32>
    %add3A_49 = vector.broadcast %get3A_48 : vector<1x256xf32> to vector<1000x256xf32>
    %add3A_50 = arith.addf %dot_general3A_45, %add3A_49 : vector<1000x256xf32>
    %slice3A = vector.extract_strided_slice %add3A_50 {offsets = [0, 0], sizes = [1000, 128], strides = [1, 1]} : vector<1000x256xf32> to vector<1000x128xf32>
    %slice3A_51 = vector.extract_strided_slice %add3A_50 {offsets = [0, 128], sizes = [1000, 128], strides = [1, 1]} : vector<1000x256xf32> to vector<1000x128xf32>
    %swap3A = arith.constant 0 : index
    %swap3A_52 = arith.constant 0 : index
    %swap3A_53 = vector.load %arg15[%swap3A, %swap3A_52] : memref<1000x128xf32, #tpu.memory_space<vmem>>, vector<1000x128xf32>
    tpu.vector_store %arg15[%swap3A, %swap3A_52], %slice3A_51 {strides = array<i32>} : memref<1000x128xf32, #tpu.memory_space<vmem>>, vector<1000x128xf32>,
    %get3A_54 = arith.constant 0 : index
    %get3A_55 = arith.constant 0 : index
    %get3A_56 = arith.constant 0 : index
    %get3A_57 = vector.load %arg14[%get3A_54, %get3A_55, %get3A_56] : memref<1x3x1000xf32, #tpu.memory_space<vmem>>, vector<1x3x1000xf32>
    %reshape3A_58 = vector.shape_cast %get3A_57 : vector<1x3x1000xf32> to vector<3x1000xf32>
    %get3A_59 = arith.constant 0 : index
    %get3A_60 = arith.constant 0 : index
    %get3A_61 = vector.load %arg8[%get3A_59, %get3A_60] : memref<3x384xf32, #tpu.memory_space<vmem>>, vector<3x384xf32>
    %dot_general3A_62 = arith.constant dense<0.000000e+00> : vector<1000x384xf32>
    %dot_general3A_63 = tpu.matmul %reshape3A_58, %get3A_61, %dot_general3A_62 {dimension_numbers = #tpu.dot_dimension_numbers<[0], [0], [1], [1], [0, 1, 1, 1], [], []>, transpose_lhs_hint = false} : vector<3x1000xf32>, vector<3x384xf32>, vector<1000x384xf32> -> vector<1000x384xf32>
    %slice3A_64 = vector.extract_strided_slice %dot_general3A_63 {offsets = [0, 0], sizes = [1000, 128], strides = [1, 1]} : vector<1000x384xf32> to vector<1000x128xf32>
    %mul3A_65 = arith.mulf %slice3A, %slice3A_64 : vector<1000x128xf32>
    %get3A_66 = arith.constant 0 : index
    %get3A_67 = arith.constant 0 : index
    %get3A_68 = arith.constant 0 : index
    %get3A_69 = arith.constant 0 : index
    %get3A_70 = vector.load %arg11[%get3A_66, %get3A_67, %get3A_68, %get3A_69] : memref<1000x1x1x128xf32, #tpu.memory_space<vmem>>, vector<1000x1x1x128xf32>
    %reshape3A_71 = vector.shape_cast %get3A_70 : vector<1000x1x1x128xf32> to vector<1000x128xf32>
    %mul3A_72 = arith.mulf %slice3A_51, %reshape3A_71 : vector<1000x128xf32>
    %add3A_73 = arith.addf %mul3A_65, %mul3A_72 : vector<1000x128xf32>
    %swap3A_74 = arith.constant 0 : index
    %swap3A_75 = arith.constant 0 : index
    %swap3A_76 = vector.load %arg16[%swap3A_74, %swap3A_75] : memref<1000x128xf32, #tpu.memory_space<vmem>>, vector<1000x128xf32>
    tpu.vector_store %arg16[%swap3A_74, %swap3A_75], %add3A_73 {strides = array<i32>} : memref<1000x128xf32, #tpu.memory_space<vmem>>, vector<1000x128xf32>,
    %slice3A_77 = vector.extract_strided_slice %dot_general3A_63 {offsets = [0, 128], sizes = [1000, 128], strides = [1, 1]} : vector<1000x384xf32> to vector<1000x128xf32>
    %mul3A_78 = arith.mulf %slice3A, %slice3A_77 : vector<1000x128xf32>
    %get3A_79 = arith.constant 0 : index
    %get3A_80 = arith.constant 0 : index
    %get3A_81 = arith.constant 0 : index
    %get3A_82 = arith.constant 0 : index
    %get3A_83 = vector.load %arg12[%get3A_79, %get3A_80, %get3A_81, %get3A_82] : memref<1000x1x1x128xf32, #tpu.memory_space<vmem>>, vector<1000x1x1x128xf32>
    %reshape3A_84 = vector.shape_cast %get3A_83 : vector<1000x1x1x128xf32> to vector<1000x128xf32>
    %mul3A_85 = arith.mulf %slice3A_51, %reshape3A_84 : vector<1000x128xf32>
    %add3A_86 = arith.addf %mul3A_78, %mul3A_85 : vector<1000x128xf32>
    %swap3A_87 = arith.constant 0 : index
    %swap3A_88 = arith.constant 0 : index
    %swap3A_89 = vector.load %arg17[%swap3A_87, %swap3A_88] : memref<1000x128xf32, #tpu.memory_space<vmem>>, vector<1000x128xf32>
    tpu.vector_store %arg17[%swap3A_87, %swap3A_88], %add3A_86 {strides = array<i32>} : memref<1000x128xf32, #tpu.memory_space<vmem>>, vector<1000x128xf32>,
    %slice3A_90 = vector.extract_strided_slice %dot_general3A_63 {offsets = [0, 256], sizes = [1000, 128], strides = [1, 1]} : vector<1000x384xf32> to vector<1000x128xf32>
    %mul3A_91 = arith.mulf %slice3A, %slice3A_90 : vector<1000x128xf32>
    %get3A_92 = arith.constant 0 : index
    %get3A_93 = arith.constant 0 : index
    %get3A_94 = arith.constant 0 : index
    %get3A_95 = arith.constant 0 : index
    %get3A_96 = vector.load %arg13[%get3A_92, %get3A_93, %get3A_94, %get3A_95] : memref<1000x1x1x128xf32, #tpu.memory_space<vmem>>, vector<1000x1x1x128xf32>
    %reshape3A_97 = vector.shape_cast %get3A_96 : vector<1000x1x1x128xf32> to vector<1000x128xf32>
    %mul3A_98 = arith.mulf %slice3A_51, %reshape3A_97 : vector<1000x128xf32>
    %add3A_99 = arith.addf %mul3A_91, %mul3A_98 : vector<1000x128xf32>
    %swap3A_100 = arith.constant 0 : index
    %swap3A_101 = arith.constant 0 : index
    %swap3A_102 = vector.load %arg18[%swap3A_100, %swap3A_101] : memref<1000x128xf32, #tpu.memory_space<vmem>>, vector<1000x128xf32>
    tpu.vector_store %arg18[%swap3A_100, %swap3A_101], %add3A_99 {strides = array<i32>} : memref<1000x128xf32, #tpu.memory_space<vmem>>, vector<1000x128xf32>,
    return
  }
  func.func @transform_0(%arg0: i32) -> (i32, i32) {
    %c0_i32 = arith.constant 0 : i32
    %c0_i32_0 = arith.constant 0 : i32
    %c0_i32_1 = arith.constant 0 : i32
    return %c0_i32, %c0_i32_0 : i32, i32
  }
  func.func @transform_1(%arg0: i32) -> (i32, i32) {
    %c0_i32 = arith.constant 0 : i32
    %c0_i32_0 = arith.constant 0 : i32
    %c0_i32_1 = arith.constant 0 : i32
    return %c0_i32, %c0_i32_0 : i32, i32
  }
  func.func @transform_2(%arg0: i32) -> (i32, i32) {
    %c0_i32 = arith.constant 0 : i32
    %c0_i32_0 = arith.constant 0 : i32
    %c0_i32_1 = arith.constant 0 : i32
    return %c0_i32, %c0_i32_0 : i32, i32
  }
  func.func @transform_3(%arg0: i32) -> (i32, i32) {
    %c0_i32 = arith.constant 0 : i32
    %c0_i32_0 = arith.constant 0 : i32
    %c0_i32_1 = arith.constant 0 : i32
    return %c0_i32, %c0_i32_0 : i32, i32
  }
  func.func @transform_4(%arg0: i32) -> (i32, i32) {
    %c0_i32 = arith.constant 0 : i32
    %c0_i32_0 = arith.constant 0 : i32
    %c0_i32_1 = arith.constant 0 : i32
    return %c0_i32, %c0_i32_0 : i32, i32
  }
  func.func @transform_5(%arg0: i32) -> (i32, i32) {
    %c0_i32 = arith.constant 0 : i32
    %c0_i32_0 = arith.constant 0 : i32
    %c0_i32_1 = arith.constant 0 : i32
    return %c0_i32, %c0_i32_0 : i32, i32
  }
  func.func @transform_6(%arg0: i32) -> (i32, i32) {
    %c0_i32 = arith.constant 0 : i32
    %c0_i32_0 = arith.constant 0 : i32
    %c0_i32_1 = arith.constant 0 : i32
    return %c0_i32, %c0_i32_0 : i32, i32
  }
  func.func @transform_7(%arg0: i32) -> (i32, i32) {
    %c0_i32 = arith.constant 0 : i32
    %c0_i32_0 = arith.constant 0 : i32
    %c0_i32_1 = arith.constant 0 : i32
    return %c0_i32, %c0_i32_0 : i32, i32
  }
  func.func @transform_8(%arg0: i32) -> (i32, i32, i32) {
    %c0_i32 = arith.constant 0 : i32
    %c0_i32_0 = arith.constant 0 : i32
    %c0_i32_1 = arith.constant 0 : i32
    return %arg0, %c0_i32, %c0_i32_0 : i32, i32, i32
  }
  func.func @transform_9(%arg0: i32) -> (i32, i32) {
    %c0_i32 = arith.constant 0 : i32
    %c0_i32_0 = arith.constant 0 : i32
    return %arg0, %c0_i32 : i32, i32
  }
  func.func @transform_10(%arg0: i32) -> (i32, i32, i32, i32) {
    %c0_i32 = arith.constant 0 : i32
    %c0_i32_0 = arith.constant 0 : i32
    %c0_i32_1 = arith.constant 0 : i32
    %c0_i32_2 = arith.constant 0 : i32
    return %arg0, %c0_i32, %c0_i32_0, %c0_i32_1 : i32, i32, i32, i32
  }
  func.func @transform_11(%arg0: i32) -> (i32, i32, i32, i32) {
    %c1_i32 = arith.constant 1 : i32
    %c0_i32 = arith.constant 0 : i32
    %c0_i32_0 = arith.constant 0 : i32
    %c0_i32_1 = arith.constant 0 : i32
    return %arg0, %c1_i32, %c0_i32, %c0_i32_0 : i32, i32, i32, i32
  }
  func.func @transform_12(%arg0: i32) -> (i32, i32, i32, i32) {
    %c2_i32 = arith.constant 2 : i32
    %c0_i32 = arith.constant 0 : i32
    %c0_i32_0 = arith.constant 0 : i32
    %c0_i32_1 = arith.constant 0 : i32
    return %arg0, %c2_i32, %c0_i32, %c0_i32_0 : i32, i32, i32, i32
  }
  func.func @transform_13(%arg0: i32) -> (i32, i32, i32) {
    %c0_i32 = arith.constant 0 : i32
    %c0_i32_0 = arith.constant 0 : i32
    %c0_i32_1 = arith.constant 0 : i32
    return %arg0, %c0_i32, %c0_i32_0 : i32, i32, i32
  }
  func.func @transform_14(%arg0: i32) -> (i32, i32) {
    %c0_i32 = arith.constant 0 : i32
    %c0_i32_0 = arith.constant 0 : i32
    return %arg0, %c0_i32 : i32, i32
  }
  func.func @transform_15(%arg0: i32) -> (i32, i32) {
    %c0_i32 = arith.constant 0 : i32
    %c0_i32_0 = arith.constant 0 : i32
    return %arg0, %c0_i32 : i32, i32
  }
  func.func @transform_16(%arg0: i32) -> (i32, i32) {
    %c0_i32 = arith.constant 0 : i32
    %c0_i32_0 = arith.constant 0 : i32
    return %arg0, %c0_i32 : i32, i32
  }
  func.func @transform_17(%arg0: i32) -> (i32, i32) {
    %c0_i32 = arith.constant 0 : i32
    %c0_i32_0 = arith.constant 0 : i32
    return %arg0, %c0_i32 : i32, i32
  }
}

module attributes {stable_mosaic.version = 14 : i64} {
  func.func @_merge_body(%arg0: i32, %arg1: memref<2x5x1000x128xf32, #tpu.memory_space<vmem>>, %arg2: memref<384x384xf32, #tpu.memory_space<vmem>>, %arg3: memref<1000x128xf32, #tpu.memory_space<vmem>>, %arg4: memref<1000x384xf32, #tpu.memory_space<vmem>>) attributes {dimension_semantics = [#tpu.dimension_semantics<arbitrary>], iteration_bounds = array<i64: 10>, scalar_prefetch = 0 : i64, scratch_operands = 0 : i64, tpu.core_type = #tpu.core_type<tc>, window_params = [{transform_indices = @transform_0, window_bounds = array<i64: 2, 5, 1000, 128>}, {pipeline_mode = #tpu.pipeline_mode<synchronous>, transform_indices = @transform_1, window_bounds = array<i64: 384, 384>}, {transform_indices = @transform_2, window_bounds = array<i64: 1000, 128>}, {transform_indices = @transform_3, window_bounds = array<i64: 1000, 384>}]} {
    %get3A = arith.constant 0 : index
    %get3A_0 = arith.constant 0 : index
    %get3A_1 = arith.constant 0 : index
    %get3A_2 = arith.constant 0 : index
    %get3A_3 = vector.load %arg1[%get3A, %get3A_0, %get3A_1, %get3A_2] : memref<2x5x1000x128xf32, #tpu.memory_space<vmem>>, vector<2x5x1000x128xf32>
    %slice3A = vector.extract_strided_slice %get3A_3 {offsets = [0, 0, 0, 0], sizes = [1, 5, 1000, 128], strides = [1, 1, 1, 1]} : vector<2x5x1000x128xf32> to vector<1x5x1000x128xf32>
    %squeeze3A = vector.shape_cast %slice3A : vector<1x5x1000x128xf32> to vector<5x1000x128xf32>
    %slice3A_4 = vector.extract_strided_slice %get3A_3 {offsets = [1, 0, 0, 0], sizes = [1, 5, 1000, 128], strides = [1, 1, 1, 1]} : vector<2x5x1000x128xf32> to vector<1x5x1000x128xf32>
    %squeeze3A_5 = vector.shape_cast %slice3A_4 : vector<1x5x1000x128xf32> to vector<5x1000x128xf32>
    %add3A = arith.addf %squeeze3A, %squeeze3A_5 : vector<5x1000x128xf32>
    %slice3A_6 = vector.extract_strided_slice %add3A {offsets = [4, 0, 0], sizes = [1, 1000, 1], strides = [1, 1, 1]} : vector<5x1000x128xf32> to vector<1x1000x1xf32>
    %squeeze3A_7 = vector.shape_cast %slice3A_6 : vector<1x1000x1xf32> to vector<1000x1xf32>
    %max3A = arith.constant 1.000000e+00 : f32
    %max3A_8 = vector.broadcast %max3A : f32 to vector<1000x1xf32>
    %max3A_9 = arith.maximumf %squeeze3A_7, %max3A_8 : vector<1000x1xf32>
    %div3A = arith.constant 1.000000e+00 : f32
    %div3A_10 = vector.broadcast %div3A : f32 to vector<1000x1xf32>
    %div3A_11 = arith.divf %div3A_10, %max3A_9 : vector<1000x1xf32>
    %slice3A_12 = vector.extract_strided_slice %add3A {offsets = [0, 0, 0], sizes = [1, 1000, 128], strides = [1, 1, 1]} : vector<5x1000x128xf32> to vector<1x1000x128xf32>
    %squeeze3A_13 = vector.shape_cast %slice3A_12 : vector<1x1000x128xf32> to vector<1000x128xf32>
    %mul3A = vector.broadcast %div3A_11 : vector<1000x1xf32> to vector<1000x128xf32>
    %mul3A_14 = arith.mulf %squeeze3A_13, %mul3A : vector<1000x128xf32>
    %swap3A = arith.constant 0 : index
    %swap3A_15 = arith.constant 0 : index
    %swap3A_16 = vector.load %arg3[%swap3A, %swap3A_15] : memref<1000x128xf32, #tpu.memory_space<vmem>>, vector<1000x128xf32>
    tpu.vector_store %arg3[%swap3A, %swap3A_15], %mul3A_14 {strides = array<i32>} : memref<1000x128xf32, #tpu.memory_space<vmem>>, vector<1000x128xf32>,
    %slice3A_17 = vector.extract_strided_slice %add3A {offsets = [1, 0, 0], sizes = [1, 1000, 128], strides = [1, 1, 1]} : vector<5x1000x128xf32> to vector<1x1000x128xf32>
    %squeeze3A_18 = vector.shape_cast %slice3A_17 : vector<1x1000x128xf32> to vector<1000x128xf32>
    %slice3A_19 = vector.extract_strided_slice %add3A {offsets = [2, 0, 0], sizes = [1, 1000, 128], strides = [1, 1, 1]} : vector<5x1000x128xf32> to vector<1x1000x128xf32>
    %squeeze3A_20 = vector.shape_cast %slice3A_19 : vector<1x1000x128xf32> to vector<1000x128xf32>
    %slice3A_21 = vector.extract_strided_slice %add3A {offsets = [3, 0, 0], sizes = [1, 1000, 128], strides = [1, 1, 1]} : vector<5x1000x128xf32> to vector<1x1000x128xf32>
    %squeeze3A_22 = vector.shape_cast %slice3A_21 : vector<1x1000x128xf32> to vector<1000x128xf32>
    %concatenate3A = tpu.concatenate %squeeze3A_18, %squeeze3A_20, %squeeze3A_22 in 1 : vector<1000x128xf32>, vector<1000x128xf32>, vector<1000x128xf32> -> vector<1000x384xf32>
    %mul3A_23 = vector.broadcast %div3A_11 : vector<1000x1xf32> to vector<1000x384xf32>
    %mul3A_24 = arith.mulf %concatenate3A, %mul3A_23 : vector<1000x384xf32>
    %get3A_25 = arith.constant 0 : index
    %get3A_26 = arith.constant 0 : index
    %get3A_27 = vector.load %arg2[%get3A_25, %get3A_26] : memref<384x384xf32, #tpu.memory_space<vmem>>, vector<384x384xf32>
    %dot_general3A = arith.constant dense<0.000000e+00> : vector<1000x384xf32>
    %dot_general3A_28 = tpu.matmul %mul3A_24, %get3A_27, %dot_general3A {dimension_numbers = #tpu.dot_dimension_numbers<[1], [0], [0], [1], [0, 0, 1, 1], [], []>, transpose_lhs_hint = false} : vector<1000x384xf32>, vector<384x384xf32>, vector<1000x384xf32> -> vector<1000x384xf32>
    %swap3A_29 = arith.constant 0 : index
    %swap3A_30 = arith.constant 0 : index
    %swap3A_31 = vector.load %arg4[%swap3A_29, %swap3A_30] : memref<1000x384xf32, #tpu.memory_space<vmem>>, vector<1000x384xf32>
    tpu.vector_store %arg4[%swap3A_29, %swap3A_30], %dot_general3A_28 {strides = array<i32>} : memref<1000x384xf32, #tpu.memory_space<vmem>>, vector<1000x384xf32>,
    return
  }
  func.func @transform_0(%arg0: i32) -> (i32, i32, i32, i32) {
    %c0_i32 = arith.constant 0 : i32
    %c0_i32_0 = arith.constant 0 : i32
    %c0_i32_1 = arith.constant 0 : i32
    %c0_i32_2 = arith.constant 0 : i32
    return %c0_i32, %c0_i32_0, %arg0, %c0_i32_1 : i32, i32, i32, i32
  }
  func.func @transform_1(%arg0: i32) -> (i32, i32) {
    %c0_i32 = arith.constant 0 : i32
    %c0_i32_0 = arith.constant 0 : i32
    %c0_i32_1 = arith.constant 0 : i32
    return %c0_i32, %c0_i32_0 : i32, i32
  }
  func.func @transform_2(%arg0: i32) -> (i32, i32) {
    %c0_i32 = arith.constant 0 : i32
    %c0_i32_0 = arith.constant 0 : i32
    return %arg0, %c0_i32 : i32, i32
  }
  func.func @transform_3(%arg0: i32) -> (i32, i32) {
    %c0_i32 = arith.constant 0 : i32
    %c0_i32_0 = arith.constant 0 : i32
    return %arg0, %c0_i32 : i32, i32
  }
}

</mosaic_0001>

<sc_bundles>
// kernel: kernel.5.cloned.1.call-start
scs
__scs_entry_jumppad:
0x0: {  	(pc) =	sbr.rel $0x88, $3  }
0x1: {  	(tag) =	ssettag $0x0;
	lr =	simm.s32 $0x1  }
0x2: {  	[smem:$0x3F94] =	sst lr;
	_ =	strace $0xD0000000  }
0x3: {  	_ = 	snop  }
0x4: {  	_ = 	snop  }
0x5: {  	_ = 	snop  }
0x6: {  	_ = 	snop  }
0x7: {  	_ = 	snop  }
__scs_overlays_trampoline_lowered:
0x8: {  	[smem:$0x3FA3] =	sst s0  }
0x9: {  	[smem:$0x3FA4] =	sst s1  }
0xa: {  	[smem:$0x3FA5] =	sst s2  }
0xb: {  	[smem:$0x3FA6] =	sst s3  }
0xc: {  	[smem:$0x3FA7] =	sst s4  }
0xd: {  	[smem:$0x3FA8] =	sst s5  }
0xe: {  	[smem:$0x3FA9] =	sst s6  }
0xf: {  	[smem:$0x3FAA] =	sst s7  }
0x10: {  	[smem:$0x3FAB] =	sst s8  }
0x11: {  	[smem:$0x3FAC] =	sst s9;
	s0 =	simm.s32 @!p0 $0x0  }
0x12: {  	s1 =	sld [smem:$0x3F92];
	s0 =	simm.s32 @p0 $0x1  }
0x13: {  	[smem:$0x3FAD] =	sst s0;
	s0 =	simm.s32 @!p1 $0x0  }
0x14: {  	s2 =	sld [smem:$0x3F91];
	s0 =	simm.s32 @p1 $0x1  }
0x15: {  	[smem:$0x3FAE] =	sst s0;
	s0 =	simm.s32 @!p2 $0x0  }
0x16: {  	s3 =	sld [smem:$0x3FDB];
	s0 =	simm.s32 @p2 $0x1  }
0x17: {  	s4 =	simm.s32 $0x1BF5;
	[smem:$0x3FB0] =	sst s0  }
0x18: {  	s0 =	sld [smem:$0x3F93];
	_ =	swait.ge [sflag:s4], $0x0  }
0x19: {  	s7 =	sld [smem:$0x3F94]  }
0x1a: {  	s8 =	sadd.s32 $0xFFFFE003, lr  }
0x1b: {  	s9 =	sadd.s32 $0xFFFFFEF7, lr;
	s5 =	simm.s32 $0xFFFFFFFF;
	p2 =	slt.u32 s8, $0xFFFFF086  }
0x1c: {  	p1 =	slt.u32 s9, $0xF7A;
	s5 =	simm.s32 @!p2 $0x0  }
0x1d: {  	s5 =	simm.s32 @p1 $0x1;
	p0 =	seq.s32 s7, s2  }
0x1e: {  	s7 =	smul.u32 @!p0 $0xF7A, s2;
	p2 =	seq.s32 @!p0 s5, $0x0  }
0x1f: {  	s9 =	smul.u32 $0xF7A, s1;
	s8 =	simm.s32 @!p0 $0x1BF5;
	p2 =	por !p2, p0  }
0x20: {  	[sflag:s8] =	ssyncset.s32 @!p0 $0xFFFFF086;
	s6 =	sadd.s32 @!p0 s3, s7;
	s7 =	simm.s32 @!p0 $0x108  }
0x21: {  	s3 =	sadd.s32 s3, s9;
	s6 =	sadd.s32 @!p0 $0x88, s6;
	s7 =	simm.s32 @p2 $0x1082  }
0x22: {  	[simem:s7], [sflag:s8] =	dma.local @!p0 [hbm:s6], $0xF7A  }
0x23: {  	s9 =	sor.u32 $0xD0000000, s2;
	s6 =	simm.s32 $0x108;
	_ =	swait.ge @!p0 [sflag:s8], $0x0  }
0x24: {  	s3 =	sadd.s32 $0x88, s3;
	s6 =	simm.s32 @!p1 $0x1082;
	[sflag:s4] =	ssyncset.s32 $0xFFFFF086  }
0x25: {  	[simem:s6], [sflag:s4] =	dma.local [hbm:s3], $0xF7A  }
0x26: {  	[smem:$0x3F94] =	sst s1;
	(tag) =	ssettag s2;
	_ =	strace s9  }
0x27: {  	s1 =	sld [smem:$0x3FA4]  }
0x28: {  	s2 =	sld [smem:$0x3FA5]  }
0x29: {  	s4 =	sld [smem:$0x3FA7]  }
0x2a: {  	p0 =	seq.s32 s5, $0x0;
	s5 =	sld [smem:$0x3FA8]  }
0x2b: {  	s6 =	sld [smem:$0x3FA9]  }
0x2c: {  	s7 =	sld [smem:$0x3FAA]  }
0x2d: {  	s3 =	simm.s32 $0x108;
	s8 =	sld [smem:$0x3FAB]  }
0x2e: {  	s3 =	simm.s32 @!p0 $0x1082;
	s9 =	sld [smem:$0x3FAC]  }
0x2f: {  	lr =	sadd.s32 s0, s3;
	s0 =	sld [smem:$0x3FA3]  }
0x30: {  	s3 =	sld [smem:$0x3FA6]  }
0x31: {  	[smem:$0x3FAF] =	sst s10  }
0x32: {  	s10 =	sld [smem:$0x3FAD];
	_ =	sdelay $0x3  }
0x33: {  	p0 =	seq.s32 s10, $0x1;
	s10 =	sld [smem:$0x3FAF];
	_ =	sdelay $0x3  }
0x34: {  	[smem:$0x3FAF] =	sst s10  }
0x35: {  	s10 =	sld [smem:$0x3FAE];
	_ =	sdelay $0x3  }
0x36: {  	p1 =	seq.s32 s10, $0x1;
	s10 =	sld [smem:$0x3FAF];
	_ =	sdelay $0x3  }
0x37: {  	[smem:$0x3FAF] =	sst s10  }
0x38: {  	s10 =	sld [smem:$0x3FB0]  }
0x39: {  	_ = 	snop;
	(pc) =	sbr.ind lr, $3  }
0x3a: {  	_ = 	snop  }
0x3b: {  	_ = 	snop  }
0x3c: {  	p2 =	seq.s32 s10, $0x1;
	s10 =	sld [smem:$0x3FAF]  }
0x3d: {  	_ =	shalt  }
0x3e: {  	_ =	shalt  }
0x3f: {  	_ =	shalt  }
0x40: {  	_ =	shalt  }
0x41: {  	_ =	shalt  }
0x42: {  	_ =	shalt  }
0x43: {  	_ =	shalt  }
0x44: {  	_ =	shalt  }
0x45: {  	_ =	shalt  }
0x46: {  	_ =	shalt  }
0x47: {  	_ =	shalt  }
0x48: {  	_ =	shalt  }
0x49: {  	_ =	shalt  }
0x4a: {  	_ =	shalt  }
0x4b: {  	_ =	shalt  }
0x4c: {  	_ =	shalt  }
0x4d: {  	_ =	shalt  }
0x4e: {  	_ =	shalt  }
0x4f: {  	_ =	shalt  }
0x50: {  	_ =	shalt  }
0x51: {  	_ =	shalt  }
0x52: {  	_ =	shalt  }
0x53: {  	_ =	shalt  }
0x54: {  	_ =	shalt  }
0x55: {  	_ =	shalt  }
0x56: {  	_ =	shalt  }
0x57: {  	_ =	shalt  }
0x58: {  	_ =	shalt  }
0x59: {  	_ =	shalt  }
0x5a: {  	_ =	shalt  }
0x5b: {  	_ =	shalt  }
0x5c: {  	_ =	shalt  }
0x5d: {  	_ =	shalt  }
0x5e: {  	_ =	shalt  }
0x5f: {  	_ =	shalt  }
0x60: {  	_ =	shalt  }
0x61: {  	_ =	shalt  }
0x62: {  	_ =	shalt  }
0x63: {  	_ =	shalt  }
0x64: {  	_ =	shalt  }
0x65: {  	_ =	shalt  }
0x66: {  	_ =	shalt  }
0x67: {  	_ =	shalt  }
0x68: {  	_ =	shalt  }
0x69: {  	_ =	shalt  }
0x6a: {  	_ =	shalt  }
0x6b: {  	_ =	shalt  }
0x6c: {  	_ =	shalt  }
0x6d: {  	_ =	shalt  }
0x6e: {  	_ =	shalt  }
0x6f: {  	_ =	shalt  }
0x70: {  	_ =	shalt  }
0x71: {  	_ =	shalt  }
0x72: {  	_ =	shalt  }
0x73: {  	_ =	shalt  }
0x74: {  	_ =	shalt  }
0x75: {  	_ =	shalt  }
0x76: {  	_ =	shalt  }
0x77: {  	_ =	shalt  }
0x78: {  	_ =	shalt  }
0x79: {  	_ =	shalt  }
0x7a: {  	_ =	shalt  }
0x7b: {  	_ =	shalt  }
0x7c: {  	_ =	shalt  }
0x7d: {  	_ =	shalt  }
0x7e: {  	_ =	shalt  }
0x7f: {  	_ =	shalt  }
0x80: {  	_ =	shalt  }
0x81: {  	_ =	shalt  }
0x82: {  	_ =	shalt  }
0x83: {  	_ =	shalt  }
0x84: {  	_ =	shalt  }
0x85: {  	_ =	shalt  }
0x86: {  	_ =	shalt  }
0x87: {  	_ =	shalt  }
.Lfunc_end0:
.L_simem_size_0:
called_computation_lowered:
.L_overlay_start_0:
0x88: {  	s2 =	sld [smem:$0x3FD9]  }
0x89: {  	s3 =	sld [smem:$0x3FFE];
	_ =	sdelay $0x1  }
0x8a: {  	s1 =	srdreg.scid  }
0x8b: {  	s0 =	sand.u32 $0x1, s1  }
0x8c: {  	s14 =	sshll.u32 s0, $0xA;
	s2 =	sadd.s32 s3, s2  }
0x8d: {  	s2 =	sadd.s32 s2, s14  }
0x8e: {  	[smem:$0x3FBB] =	sst s2  }
0x8f: {  	_ = 	snop  }
0x90: {  	s2 =	sld [smem:$0x3FD0];
	_ =	sdelay $0x2  }
0x91: {  	s15 =	simm.s32 $0xA;
	s4 =	simm.s32 $0x10  }
0x92: {  	[smem:s4], [sflag:s15] =	dma.local [hbm:s2], $0x1  }
0x93: {  	_ =	swait.eq [sflag:s15], $0x1  }
0x94: {  	[sflag:s15] =	ssyncset.done $0x0  }
0x95: {  	s16 =	sld [smem:$0x10];
	[sflag:s15] =	ssyncadd.s32 $0xFFFFFFFF  }
0x96: {  	s17 =	sld [smem:$0x11];
	(tm) =	ssettm $0x1  }
0x97: {  	s18 =	sld [smem:$0x3FFB];
	_ =	sdelay $0x3  }
0x98: {  	_ =	strace s18  }
0x99: {  	s4 =	sld [smem:$0x3FFC];
	_ =	sdelay $0x3  }
0x9a: {  	_ =	strace s4  }
0x9b: {  	s4 =	sld [smem:$0x3FFD];
	_ =	sdelay $0x3  }
0x9c: {  	_ =	strace s4  }
0x9d: {  	_ =	strace $0x8FFFFFFF  }
0x9e: {  	s19 =	sld [smem:$0x3FDB];
	_ =	sdelay $0x1  }
0x9f: {  	s5 =	simm.s32 $_scs_section_size  }
0xa0: {  	s6 =	simm.s32 $_size__tile_overlayer_lowered;
	s7 =	simm.s32 $_tile_overlayer_lowered  }
0xa1: {  	s22 =	simm.s32 $0x1BFF;
	s21 =	sshll.u32 s7, $0x1;
	s4 =	sadd.s32 s5, s19  }
0xa2: {  	s8 =	simm.s32 $0x0;
	s20 =	sshll.u32 s6, $0x1;
	s6 =	sadd.s32 s21, s4  }
0xa3: {  	[timem:s8], [sflag:s22] =	dma.local [hbm:s6], s20  }
0xa4: {  	_ =	swait.ge [sflag:s22], s20  }
0xa5: {  	s5 =	ssub.s32 $0x0, s20;
	[sflag:s22] =	ssyncset.done $0x0  }
0xa6: {  	[sflag:s22] =	ssyncadd.s32 s5;
	_ =	sdelay $0x1  }
0xa7: {  	s23 =	simm.s32 $0x1B8B  }
0xa8: {  	_ =	swait.ge [sflag:s23], $0x1  }
0xa9: {  	[sflag:s23] =	ssyncset.done $0x0  }
0xaa: {  	s25 =	simm.s32 $0x1B8E;
	s24 =	sld [smem:$0x3FFE];
	[sflag:s23] =	ssyncadd.s32 $0xFFFFFFFF  }
0xab: {  	s26 =	simm.s32 $execute0_lowered;
	[smem:$0x3FD2] =	sst s25  }
0xac: {  	s6 =	sshll.u32 s26, $0x1;
	_ =	strace $0x80000046;
	[dreg:$0x1] =	wrdreg $0xFFFFFFFF  }
0xad: {  	s28 =	simm.s32 $_size_execute0_lowered;
	s4 =	sadd.s32 s4, s6;
	[dreg:$0x0] =	wrdreg $0x0  }
0xae: {  	s6 =	sshll.u32 s28, $0x1;
	[dreg:$0x2] =	wrdreg s4  }
0xaf: {  	[dreg:$0x3] =	wrdreg s6  }
0xb0: {  	[dreg:$0x4] =	wrdreg $0xC0  }
0xb1: {  	_ =	task [dreg:s8], $0x5FFFF  }
0xb2: {  	[dreg:$0x1] =	wrdreg $0xFFFFFFFF  }
0xb3: {  	[dreg:$0x0] =	wrdreg $0x60  }
0xb4: {  	[dreg:$0x2] =	wrdreg s24  }
0xb5: {  	[dreg:$0x3] =	wrdreg s16  }
0xb6: {  	[dreg:$0x4] =	wrdreg s17  }
0xb7: {  	[dreg:$0x5] =	wrdreg $0x70800  }
0xb8: {  	[dreg:$0x6] =	wrdreg $0x9  }
0xb9: {  	_ =	task.clear_ibuf [dreg:s8], $0x7FFFF;
	_ =	strace $0x90000046  }
0xba: {  	s29 =	simm.s32 $0x9;
	_ =	strace $0x80000048  }
0xbb: {  	_ =	swait.ge [sflag:s29], $0x1  }
0xbc: {  	[sflag:s29] =	ssyncadd.s32 $0xFFFFFFFF  }
0xbd: {  	_ =	strace $0x90000048  }
0xbe: {  	_ =	sfence  }
0xbf: {  	s30 =	sld [smem:$0x0];
	_ =	sdelay $0x2  }
0xc0: {  	s31 =	sshll.u32 s1, $0xD;
	s1 =	sshrl.u32 s1, $0x2  }
0xc1: {  	s3 =	sand.u32 $0x4000, s31;
	s1 =	sadd.s32 s1, s30  }
0xc2: {  	s0 =	sor.u32 s3, s0;
	s1 =	sshll.u32 s1, $0x11  }
0xc3: {  	s0 =	sor.u32 s1, s0  }
0xc4: {  	s0 =	sadd.s32 $0x8F2B, s0  }
0xc5: {  	[sflag:s0] =	ssyncadd.remote.s32 $0x1  }
0xc6: {  	_ =	sfence.sel $0xFFFF  }
0xc7: {  	[dreg:$0x0] =	wrdreg $0xFFFFFFFF;
	(pc) =	sbr.abs _section_cstart, $3  }
0xc8: {  	[dreg:$0x1] =	wrdreg $0xFFFFFFFF  }
0xc9: {  	_ =	task.clear_ibuf [dreg:s8], $0x2FFFF;
	_ =	strace $0x9FFFFFFF  }
0xca: {  	(tm) =	ssettm $0x7FFFFFFF  }
0xcb: {  	_ =	shalt  }
tec
execute0_lowered:
.L_overlay_start_1:
0x0: {  	(tag) =	ssettag $0x1  }
0x1: {  	s1 =	rddreg [dreg:$0x0]  }
0x2: {  	s3 =	rddreg [dreg:$0x1]  }
0x3: {  	s0 =	rddreg [dreg:$0x2];
	s4 =	srdreg.scid  }
0x4: {  	s2 =	rddreg [dreg:$0x3];
	s16 =	stileid.u32  }
0x5: {  	s5 =	sadd.s32 $0x757000, s1;
	s4 =	sand.u32 $0x1, s4;
	s9 =	smul.u32 $0x14000, s16  }
0x6: {  	s8 =	sadd.s32 $0x9C8000, s1;
	s6 =	sshll.u32 s4, $0x4;
	s7 =	smul.u32 $0x640000, s4  }
0x7: {  	s11 =	ssub.s32 $0x2, s4;
	s4 =	smul.u32 $0x138800, s4;
	s6 =	sor.u32 s16, s6  }
0x8: {  	s10 =	sadd.s32 $0xC39000, s1;
	s13 =	sadd.s32 $0xEAA000, s1;
	s12 =	smul.u32 $0x9C400, s6  }
0x9: {  	s25 =	sshrl.u32 s11, $0x1;
	s7 =	sadd.s32 s9, s7;
	s15 =	smul.u32 $0x13880, s6  }
0xa: {  	s14 =	sshll.u32 s6, $0xA;
	s9 =	ssub.s32 s11, s25;
	s25 =	smul.u32 $0x13880, s16  }
0xb: {  	s6 =	sshll.u32 s6, $0x4;
	s11 =	simm.s32 $0x0;
	s3 =	sadd.s32 s3, s14  }
0xc: {  	s7 =	sshrl.u32 s7, $0x3;
	s6 =	sadd.s32 s6, s1;
	s12 =	sshrl.u32 s12, $0x3  }
0xd: {  	[dreg:$0x5] =	wrdreg s3;
	s28 =	sadd.s32 s5, s15;
	s14 =	sadd.s32 s8, s15  }
0xe: {  	s18 =	sadd.s32 s10, s15;
	s20 =	sadd.s32 s13, s15;
	[dreg:$0x6] =	wrdreg s28  }
0xf: {  	s21 =	sadd.s32 $0x13100, s15;
	s7 =	sadd.s32 s7, s1;
	[dreg:$0x8] =	wrdreg s14  }
0x10: {  	s1 =	sadd.s32 $0x4000, s1;
	s15 =	simm.s32 $0x3;
	[dreg:$0xa] =	wrdreg s18  }
0x11: {  	s26 =	sadd.s32 $0x13600, s12;
	[dreg:$0xc] =	wrdreg s20;
	s22 =	sadd.s32 s5, s21  }
0x12: {  	s23 =	sadd.s32 s8, s21;
	s24 =	sadd.s32 s10, s21;
	s28 =	sadd.s32 $0x3E00, s6  }
0x13: {  	s6 =	simm.s32 $0x50;
	s12 =	sadd.s32 s5, s26;
	[dreg:$0xe] =	wrdreg s22  }
0x14: {  	s17 =	sadd.s32 s8, s26;
	s19 =	sadd.s32 s10, s26;
	[dreg:$0xf] =	wrdreg s23  }
0x15: {  	s3 =	sadd.s32 s13, s26;
	[dreg:$0x10] =	wrdreg s24;
	s5 =	sadd.s32 s4, s5  }
0x16: {  	s8 =	sadd.s32 s4, s8;
	s10 =	sadd.s32 s4, s10;
	[dreg:$0x7] =	wrdreg s12  }
0x17: {  	s4 =	sadd.s32 s4, s13;
	s26 =	smul.u32 $0x50000, s16;
	[dreg:$0x9] =	wrdreg s17  }
0x18: {  	s22 =	sadd.s32 $0x2C600, s7;
	s23 =	sadd.s32 $0x54600, s7;
	[dreg:$0xb] =	wrdreg s19  }
0x19: {  	s24 =	sadd.s32 $0x7C600, s7;
	[dreg:$0xd] =	wrdreg s3;
	s3 =	sadd.s32 s13, s21  }
0x1a: {  	s5 =	sadd.s32 s25, s5;
	s8 =	sadd.s32 s25, s8;
	s10 =	sadd.s32 s25, s10  }
0x1b: {  	s17 =	simm.s32 $0x0;
	s21 =	sadd.s32 $0x4600, s7;
	[dreg:$0x11] =	wrdreg s3  }
0x1c: {  	s3 =	sadd.s32 s25, s4;
	[smem:$0x7FF] =	sst s17;
	s4 =	sshrl.u32 s26, $0x2  }
0x1d: {  	s25 =	sadd.s32 $0xA4600, s7;
	s26 =	smax.u32 s9, $0x1;
	s16 =	sadd.s32 $0x500, s5  }
0x1e: {  	s29 =	sadd.s32 $0x500, s8;
	s30 =	sadd.s32 $0x500, s10;
	s5 =	simm.s32 $0x1  }
0x1f: {  	s7 =	simm.s32 $0x2;
	s8 =	simm.s32 $0x1E00;
	s9 =	simm.s32 $0x1E80  }
0x20: {  	s10 =	simm.s32 $0x28;
	_ =	strace $0x80000047;
	[dreg:$0x12] =	wrdreg s1  }
0x21: {  	[dreg:$0x13] =	wrdreg s28;
	s20 =	sadd.s32 s4, s2;
	s31 =	sadd.s32 $0x500, s3  }
0x22: {  	s1 =	simm.s32 $0x2000;
	s3 =	simm.s32 $0x2080;
	s4 =	simm.s32 $0x4880  }
.LBB2_1:
0x23: {  	s12 =	rddreg [dreg:$0x5]  }
0x24: {  	[tilespmem:s17], [sflag:$0x3] =	stream.linear.gather [hbm4b:s12+s17], $0x1F00, $0x38;
	[tilespmem:$0x1B080] =	vst v63  }
0x25: {  	_ =	swait.ge [sflag:s15], $0x1F00  }
0x26: {  	[sflag:s15] =	ssyncset.done $0x0  }
0x27: {  	s14 =	rddreg [dreg:$0x13];
	[sflag:s15] =	ssyncadd.s32 $0xFFFFE100  }
0x28: {  	[tilespmem:s1], [sflag:$0x3] =	stream.linear.gather [hbm4b:s14+s17], $0x80, $0x38;
	[tilespmem:$0x1B080] =	vst v63  }
0x29: {  	s18 =	stileid.u32;
	_ =	swait.ge [sflag:s15], $0x80  }
0x2a: {  	s12 =	sshll.u32 s18, $0x6;
	[sflag:s15] =	ssyncset.done $0x0  }
0x2b: {  	s13 =	sshrl.u32 s20, $0x3;
	s12 =	sor.u32 $0x1C03, s12;
	[sflag:s15] =	ssyncadd.s32 $0xFFFFFF80  }
0x2c: {  	[spmem:s13], [sflag:s12] =	dma.local [hbm:s0], $0x2800  }
0x2d: {  	_ =	swait.ge [sflag:s15], $0x2800  }
0x2e: {  	[sflag:s15] =	ssyncset.done $0x0  }
0x2f: {  	[sflag:s15] =	ssyncadd.s32 $0xFFFFD800  }
0x30: {  	[bflag:$0x0] =	sbarrier.arrive $0xFFFF  }
0x31: {  	s14 =	rddreg [dreg:$0x6]  }
0x32: {  	[tilespmem:s3], [sflag:$0x1] =	stream.linear.gather [hbm4b:s14+s17], $0x2800, $0x38;
	[tilespmem:$0x1B080] =	vst v63  }
0x33: {  	_ = 	snop  }
0x34: {  	[tilespmem:s4], [sflag:$0x2] =	stream.linear.gather [hbm4b:s16+s17], $0x2800, $0x38;
	[tilespmem:$0x1B080] =	vst v63  }
0x35: {  	_ =	swait.ge [sflag:s5], $0x2800  }
0x36: {  	[sflag:s5] =	ssyncset.done $0x0  }
0x37: {  	s19 =	simm.s32 $0x0;
	[sflag:s5] =	ssyncadd.s32 $0xFFFFD800  }
0x38: {  	[spmem:s2] =	stream.indirect.scatter.add.f32 [tilespmem:s3], [sflag:$0x3], $0x80, s19, s6, $0xb8;
	[tilespmem:$0x1B080] =	vst v63  }
0x39: {  	_ =	swait.ge [sflag:s15], $0x2800  }
0x3a: {  	[sflag:s15] =	ssyncset.done $0x0  }
0x3b: {  	s18 =	sadd.s32 $0x500, s16;
	[sflag:s15] =	ssyncadd.s32 $0xFFFFD800  }
0x3c: {  	[tilespmem:s3], [sflag:$0x1] =	stream.linear.gather [hbm4b:s18+s17], $0x2800, $0x38;
	[tilespmem:$0x1B080] =	vst v63  }
0x3d: {  	_ =	swait.ge [sflag:s7], $0x2800  }
0x3e: {  	[sflag:s7] =	ssyncset.done $0x0  }
0x3f: {  	s19 =	simm.s32 $0x80;
	[sflag:s7] =	ssyncadd.s32 $0xFFFFD800  }
0x40: {  	[spmem:s2] =	stream.indirect.scatter.add.f32 [tilespmem:s4], [sflag:$0x3], $0x80, s19, s6, $0xb8;
	[tilespmem:$0x1B080] =	vst v63  }
0x41: {  	_ =	swait.ge [sflag:s15], $0x2800  }
0x42: {  	s28 =	smov.u32 s16;
	s14 =	simm.s32 $0x400;
	[sflag:s15] =	ssyncset.done $0x0  }
.LBB2_2:
0x43: {  	p0 =	sne.s32 s14, $0x7400;
	[sflag:s15] =	ssyncadd.s32 $0xFFFFD800;
	s28 =	sadd.s32 $0xA00, s28  }
0x44: {  	[tilespmem:s4], [sflag:$0x2] =	stream.linear.gather [hbm4b:s28+s17], $0x2800, $0x38;
	[tilespmem:$0x1B080] =	vst v63  }
0x45: {  	s18 =	smov.u32 s14;
	s14 =	sadd.s32 $0x400, s14;
	_ =	swait.ge [sflag:s5], $0x2800  }
0x46: {  	[sflag:s5] =	ssyncset.done $0x0  }
0x47: {  	s18 =	sshra.s32 s18, $0x2;
	[sflag:s5] =	ssyncadd.s32 $0xFFFFD800  }
0x48: {  	[spmem:s2] =	stream.indirect.scatter.add.f32 [tilespmem:s3], [sflag:$0x3], $0x80, s18, s6, $0xb8;
	[tilespmem:$0x1B080] =	vst v63  }
0x49: {  	_ =	swait.ge [sflag:s15], $0x2800  }
0x4a: {  	[sflag:s15] =	ssyncset.done $0x0  }
0x4b: {  	s19 =	sadd.s32 $0x500, s28;
	[sflag:s15] =	ssyncadd.s32 $0xFFFFD800  }
0x4c: {  	[tilespmem:s3], [sflag:$0x1] =	stream.linear.gather [hbm4b:s19+s17], $0x2800, $0x38;
	[tilespmem:$0x1B080] =	vst v63  }
0x4d: {  	_ =	swait.ge [sflag:s7], $0x2800  }
.Ltmp0:
0x4e: {  	[sflag:s7] =	ssyncset.done $0x0;
	(pc) =	sbr.rel @p0 .LBB2_2-.Ltmp0, $4  }
0x4f: {  	s18 =	sadd.s32 $0x80, s18;
	[sflag:s7] =	ssyncadd.s32 $0xFFFFD800  }
0x50: {  	[spmem:s2] =	stream.indirect.scatter.add.f32 [tilespmem:s4], [sflag:$0x3], $0x80, s18, s6, $0xb8;
	[tilespmem:$0x1B080] =	vst v63  }
0x51: {  	_ =	swait.ge [sflag:s15], $0x2800  }
0x52: {  	[sflag:s15] =	ssyncset.done $0x0  }
0x53: {  	[sflag:s15] =	ssyncadd.s32 $0xFFFFD800;
	s14 =	simm.s32 $0x0;
	s18 =	rddreg [dreg:$0xe]  }
0x54: {  	[tilespmem:s4], [sflag:$0x2] =	stream.linear.gather [hbm4b:s18+s14], $0x2800, $0x38;
	[tilespmem:$0x1B080] =	vst v63  }
0x55: {  	_ =	swait.ge [sflag:s5], $0x2800  }
0x56: {  	[sflag:s5] =	ssyncset.done $0x0  }
0x57: {  	[sflag:s5] =	ssyncadd.s32 $0xFFFFD800  }
0x58: {  	[spmem:s2] =	stream.indirect.scatter.add.f32 [tilespmem:s3], [sflag:$0x3], $0x80, s8, s6, $0xb8;
	[tilespmem:$0x1B080] =	vst v63  }
0x59: {  	_ =	swait.ge [sflag:s15], $0x2800  }
0x5a: {  	[sflag:s15] =	ssyncset.done $0x0  }
0x5b: {  	[sflag:s15] =	ssyncadd.s32 $0xFFFFD800  }
0x5c: {  	_ =	swait.ge [sflag:s7], $0x2800  }
0x5d: {  	[sflag:s7] =	ssyncset.done $0x0  }
0x5e: {  	[sflag:s7] =	ssyncadd.s32 $0xFFFFD800  }
0x5f: {  	[spmem:s2] =	stream.indirect.scatter.add.f32 [tilespmem:s4], [sflag:$0x3], $0x80, s9, s6, $0xb8;
	[tilespmem:$0x1B080] =	vst v63  }
0x60: {  	_ =	swait.ge [sflag:s15], $0x2800  }
0x61: {  	[sflag:s15] =	ssyncset.done $0x0  }
0x62: {  	s19 =	rddreg [dreg:$0x7];
	[sflag:s15] =	ssyncadd.s32 $0xFFFFD800  }
0x63: {  	[tilespmem:s3], [sflag:$0x3] =	stream.linear.gather [hbm4b:s19+s14], $0x1400, $0x38;
	[tilespmem:$0x1B080] =	vst v63  }
0x64: {  	_ =	swait.ge [sflag:s15], $0x1400  }
0x65: {  	[sflag:s15] =	ssyncset.done $0x0  }
0x66: {  	[sflag:s15] =	ssyncadd.s32 $0xFFFFEC00  }
0x67: {  	[spmem:s2] =	stream.indirect.scatter.add.f32 [tilespmem:s3], [sflag:$0x3], $0x80, s1, s10, $0xb8;
	[tilespmem:$0x1B080] =	vst v63  }
0x68: {  	_ =	swait.ge [sflag:s15], $0x1400  }
0x69: {  	[sflag:s15] =	ssyncset.done $0x0  }
0x6a: {  	[sflag:s15] =	ssyncadd.s32 $0xFFFFEC00  }
0x6b: {  	[bflag:$0x0] =	sbarrier.arrive $0xFFFF  }
0x6c: {  	[hbm:s21], [sflag:s12] =	dma.local [spmem:s13], $0x2800  }
0x6d: {  	_ =	swait.ge [sflag:s15], $0x2800  }
0x6e: {  	[sflag:s15] =	ssyncset.done $0x0  }
0x6f: {  	[sflag:s15] =	ssyncadd.s32 $0xFFFFD800  }
0x70: {  	[spmem:s13], [sflag:s12] =	dma.local [hbm:s0], $0x2800  }
0x71: {  	_ =	swait.ge [sflag:s15], $0x2800  }
0x72: {  	[sflag:s15] =	ssyncset.done $0x0  }
0x73: {  	[sflag:s15] =	ssyncadd.s32 $0xFFFFD800  }
0x74: {  	[bflag:$0x0] =	sbarrier.arrive $0xFFFF  }
0x75: {  	s19 =	rddreg [dreg:$0x8]  }
0x76: {  	[tilespmem:s3], [sflag:$0x1] =	stream.linear.gather [hbm4b:s19+s14], $0x2800, $0x38;
	[tilespmem:$0x1B080] =	vst v63  }
0x77: {  	_ = 	snop  }
0x78: {  	[tilespmem:s4], [sflag:$0x2] =	stream.linear.gather [hbm4b:s29+s17], $0x2800, $0x38;
	[tilespmem:$0x1B080] =	vst v63  }
0x79: {  	_ =	swait.ge [sflag:s5], $0x2800  }
0x7a: {  	[sflag:s5] =	ssyncset.done $0x0  }
0x7b: {  	s19 =	simm.s32 $0x0;
	[sflag:s5] =	ssyncadd.s32 $0xFFFFD800  }
0x7c: {  	[spmem:s2] =	stream.indirect.scatter.add.f32 [tilespmem:s3], [sflag:$0x3], $0x80, s19, s6, $0xb8;
	[tilespmem:$0x1B080] =	vst v63  }
0x7d: {  	_ =	swait.ge [sflag:s15], $0x2800  }
0x7e: {  	[sflag:s15] =	ssyncset.done $0x0  }
0x7f: {  	s18 =	sadd.s32 $0x500, s29;
	[sflag:s15] =	ssyncadd.s32 $0xFFFFD800  }
0x80: {  	[tilespmem:s3], [sflag:$0x1] =	stream.linear.gather [hbm4b:s18+s17], $0x2800, $0x38;
	[tilespmem:$0x1B080] =	vst v63  }
0x81: {  	_ =	swait.ge [sflag:s7], $0x2800  }
0x82: {  	[sflag:s7] =	ssyncset.done $0x0  }
0x83: {  	s19 =	simm.s32 $0x80;
	[sflag:s7] =	ssyncadd.s32 $0xFFFFD800  }
0x84: {  	[spmem:s2] =	stream.indirect.scatter.add.f32 [tilespmem:s4], [sflag:$0x3], $0x80, s19, s6, $0xb8;
	[tilespmem:$0x1B080] =	vst v63  }
0x85: {  	_ =	swait.ge [sflag:s15], $0x2800  }
0x86: {  	s28 =	smov.u32 s29;
	s14 =	simm.s32 $0x400;
	[sflag:s15] =	ssyncset.done $0x0  }
.LBB2_4:
0x87: {  	p0 =	sne.s32 s14, $0x7400;
	[sflag:s15] =	ssyncadd.s32 $0xFFFFD800;
	s28 =	sadd.s32 $0xA00, s28  }
0x88: {  	[tilespmem:s4], [sflag:$0x2] =	stream.linear.gather [hbm4b:s28+s17], $0x2800, $0x38;
	[tilespmem:$0x1B080] =	vst v63  }
0x89: {  	s18 =	smov.u32 s14;
	s14 =	sadd.s32 $0x400, s14;
	_ =	swait.ge [sflag:s5], $0x2800  }
0x8a: {  	[sflag:s5] =	ssyncset.done $0x0  }
0x8b: {  	s18 =	sshra.s32 s18, $0x2;
	[sflag:s5] =	ssyncadd.s32 $0xFFFFD800  }
0x8c: {  	[spmem:s2] =	stream.indirect.scatter.add.f32 [tilespmem:s3], [sflag:$0x3], $0x80, s18, s6, $0xb8;
	[tilespmem:$0x1B080] =	vst v63  }
0x8d: {  	_ =	swait.ge [sflag:s15], $0x2800  }
0x8e: {  	[sflag:s15] =	ssyncset.done $0x0  }
0x8f: {  	s19 =	sadd.s32 $0x500, s28;
	[sflag:s15] =	ssyncadd.s32 $0xFFFFD800  }
0x90: {  	[tilespmem:s3], [sflag:$0x1] =	stream.linear.gather [hbm4b:s19+s17], $0x2800, $0x38;
	[tilespmem:$0x1B080] =	vst v63  }
0x91: {  	_ =	swait.ge [sflag:s7], $0x2800  }
.Ltmp1:
0x92: {  	[sflag:s7] =	ssyncset.done $0x0;
	(pc) =	sbr.rel @p0 .LBB2_4-.Ltmp1, $4  }
0x93: {  	s18 =	sadd.s32 $0x80, s18;
	[sflag:s7] =	ssyncadd.s32 $0xFFFFD800  }
0x94: {  	[spmem:s2] =	stream.indirect.scatter.add.f32 [tilespmem:s4], [sflag:$0x3], $0x80, s18, s6, $0xb8;
	[tilespmem:$0x1B080] =	vst v63  }
0x95: {  	_ =	swait.ge [sflag:s15], $0x2800  }
0x96: {  	[sflag:s15] =	ssyncset.done $0x0  }
0x97: {  	[sflag:s15] =	ssyncadd.s32 $0xFFFFD800;
	s14 =	simm.s32 $0x0;
	s18 =	rddreg [dreg:$0xf]  }
0x98: {  	[tilespmem:s4], [sflag:$0x2] =	stream.linear.gather [hbm4b:s18+s14], $0x2800, $0x38;
	[tilespmem:$0x1B080] =	vst v63  }
0x99: {  	_ =	swait.ge [sflag:s5], $0x2800  }
0x9a: {  	[sflag:s5] =	ssyncset.done $0x0  }
0x9b: {  	[sflag:s5] =	ssyncadd.s32 $0xFFFFD800  }
0x9c: {  	[spmem:s2] =	stream.indirect.scatter.add.f32 [tilespmem:s3], [sflag:$0x3], $0x80, s8, s6, $0xb8;
	[tilespmem:$0x1B080] =	vst v63  }
0x9d: {  	_ =	swait.ge [sflag:s15], $0x2800  }
0x9e: {  	[sflag:s15] =	ssyncset.done $0x0  }
0x9f: {  	[sflag:s15] =	ssyncadd.s32 $0xFFFFD800  }
0xa0: {  	_ =	swait.ge [sflag:s7], $0x2800  }
0xa1: {  	[sflag:s7] =	ssyncset.done $0x0  }
0xa2: {  	[sflag:s7] =	ssyncadd.s32 $0xFFFFD800  }
0xa3: {  	[spmem:s2] =	stream.indirect.scatter.add.f32 [tilespmem:s4], [sflag:$0x3], $0x80, s9, s6, $0xb8;
	[tilespmem:$0x1B080] =	vst v63  }
0xa4: {  	_ =	swait.ge [sflag:s15], $0x2800  }
0xa5: {  	[sflag:s15] =	ssyncset.done $0x0  }
0xa6: {  	s19 =	rddreg [dreg:$0x9];
	[sflag:s15] =	ssyncadd.s32 $0xFFFFD800  }
0xa7: {  	[tilespmem:s3], [sflag:$0x3] =	stream.linear.gather [hbm4b:s19+s14], $0x1400, $0x38;
	[tilespmem:$0x1B080] =	vst v63  }
0xa8: {  	_ =	swait.ge [sflag:s15], $0x1400  }
0xa9: {  	[sflag:s15] =	ssyncset.done $0x0  }
0xaa: {  	[sflag:s15] =	ssyncadd.s32 $0xFFFFEC00  }
0xab: {  	[spmem:s2] =	stream.indirect.scatter.add.f32 [tilespmem:s3], [sflag:$0x3], $0x80, s1, s10, $0xb8;
	[tilespmem:$0x1B080] =	vst v63  }
0xac: {  	_ =	swait.ge [sflag:s15], $0x1400  }
0xad: {  	[sflag:s15] =	ssyncset.done $0x0  }
0xae: {  	[sflag:s15] =	ssyncadd.s32 $0xFFFFEC00  }
0xaf: {  	[bflag:$0x0] =	sbarrier.arrive $0xFFFF  }
0xb0: {  	[hbm:s22], [sflag:s12] =	dma.local [spmem:s13], $0x2800  }
0xb1: {  	_ =	swait.ge [sflag:s15], $0x2800  }
0xb2: {  	[sflag:s15] =	ssyncset.done $0x0  }
0xb3: {  	[sflag:s15] =	ssyncadd.s32 $0xFFFFD800  }
0xb4: {  	[spmem:s13], [sflag:s12] =	dma.local [hbm:s0], $0x2800  }
0xb5: {  	_ =	swait.ge [sflag:s15], $0x2800  }
0xb6: {  	[sflag:s15] =	ssyncset.done $0x0  }
0xb7: {  	[sflag:s15] =	ssyncadd.s32 $0xFFFFD800  }
0xb8: {  	[bflag:$0x0] =	sbarrier.arrive $0xFFFF  }
0xb9: {  	s19 =	rddreg [dreg:$0xa]  }
0xba: {  	[tilespmem:s3], [sflag:$0x1] =	stream.linear.gather [hbm4b:s19+s14], $0x2800, $0x38;
	[tilespmem:$0x1B080] =	vst v63  }
0xbb: {  	_ = 	snop  }
0xbc: {  	[tilespmem:s4], [sflag:$0x2] =	stream.linear.gather [hbm4b:s30+s17], $0x2800, $0x38;
	[tilespmem:$0x1B080] =	vst v63  }
0xbd: {  	_ =	swait.ge [sflag:s5], $0x2800  }
0xbe: {  	[sflag:s5] =	ssyncset.done $0x0  }
0xbf: {  	s19 =	simm.s32 $0x0;
	[sflag:s5] =	ssyncadd.s32 $0xFFFFD800  }
0xc0: {  	[spmem:s2] =	stream.indirect.scatter.add.f32 [tilespmem:s3], [sflag:$0x3], $0x80, s19, s6, $0xb8;
	[tilespmem:$0x1B080] =	vst v63  }
0xc1: {  	_ =	swait.ge [sflag:s15], $0x2800  }
0xc2: {  	[sflag:s15] =	ssyncset.done $0x0  }
0xc3: {  	s18 =	sadd.s32 $0x500, s30;
	[sflag:s15] =	ssyncadd.s32 $0xFFFFD800  }
0xc4: {  	[tilespmem:s3], [sflag:$0x1] =	stream.linear.gather [hbm4b:s18+s17], $0x2800, $0x38;
	[tilespmem:$0x1B080] =	vst v63  }
0xc5: {  	_ =	swait.ge [sflag:s7], $0x2800  }
0xc6: {  	[sflag:s7] =	ssyncset.done $0x0  }
0xc7: {  	s19 =	simm.s32 $0x80;
	[sflag:s7] =	ssyncadd.s32 $0xFFFFD800  }
0xc8: {  	[spmem:s2] =	stream.indirect.scatter.add.f32 [tilespmem:s4], [sflag:$0x3], $0x80, s19, s6, $0xb8;
	[tilespmem:$0x1B080] =	vst v63  }
0xc9: {  	_ =	swait.ge [sflag:s15], $0x2800  }
0xca: {  	s28 =	smov.u32 s30;
	s14 =	simm.s32 $0x400;
	[sflag:s15] =	ssyncset.done $0x0  }
.LBB2_6:
0xcb: {  	p0 =	sne.s32 s14, $0x7400;
	[sflag:s15] =	ssyncadd.s32 $0xFFFFD800;
	s28 =	sadd.s32 $0xA00, s28  }
0xcc: {  	[tilespmem:s4], [sflag:$0x2] =	stream.linear.gather [hbm4b:s28+s17], $0x2800, $0x38;
	[tilespmem:$0x1B080] =	vst v63  }
0xcd: {  	s18 =	smov.u32 s14;
	s14 =	sadd.s32 $0x400, s14;
	_ =	swait.ge [sflag:s5], $0x2800  }
0xce: {  	[sflag:s5] =	ssyncset.done $0x0  }
0xcf: {  	s18 =	sshra.s32 s18, $0x2;
	[sflag:s5] =	ssyncadd.s32 $0xFFFFD800  }
0xd0: {  	[spmem:s2] =	stream.indirect.scatter.add.f32 [tilespmem:s3], [sflag:$0x3], $0x80, s18, s6, $0xb8;
	[tilespmem:$0x1B080] =	vst v63  }
0xd1: {  	_ =	swait.ge [sflag:s15], $0x2800  }
0xd2: {  	[sflag:s15] =	ssyncset.done $0x0  }
0xd3: {  	s19 =	sadd.s32 $0x500, s28;
	[sflag:s15] =	ssyncadd.s32 $0xFFFFD800  }
0xd4: {  	[tilespmem:s3], [sflag:$0x1] =	stream.linear.gather [hbm4b:s19+s17], $0x2800, $0x38;
	[tilespmem:$0x1B080] =	vst v63  }
0xd5: {  	_ =	swait.ge [sflag:s7], $0x2800  }
.Ltmp2:
0xd6: {  	[sflag:s7] =	ssyncset.done $0x0;
	(pc) =	sbr.rel @p0 .LBB2_6-.Ltmp2, $4  }
0xd7: {  	s18 =	sadd.s32 $0x80, s18;
	[sflag:s7] =	ssyncadd.s32 $0xFFFFD800  }
0xd8: {  	[spmem:s2] =	stream.indirect.scatter.add.f32 [tilespmem:s4], [sflag:$0x3], $0x80, s18, s6, $0xb8;
	[tilespmem:$0x1B080] =	vst v63  }
0xd9: {  	_ =	swait.ge [sflag:s15], $0x2800  }
0xda: {  	[sflag:s15] =	ssyncset.done $0x0  }
0xdb: {  	[sflag:s15] =	ssyncadd.s32 $0xFFFFD800;
	s14 =	simm.s32 $0x0;
	s18 =	rddreg [dreg:$0x10]  }
0xdc: {  	[tilespmem:s4], [sflag:$0x2] =	stream.linear.gather [hbm4b:s18+s14], $0x2800, $0x38;
	[tilespmem:$0x1B080] =	vst v63  }
0xdd: {  	_ =	swait.ge [sflag:s5], $0x2800  }
0xde: {  	[sflag:s5] =	ssyncset.done $0x0  }
0xdf: {  	[sflag:s5] =	ssyncadd.s32 $0xFFFFD800  }
0xe0: {  	[spmem:s2] =	stream.indirect.scatter.add.f32 [tilespmem:s3], [sflag:$0x3], $0x80, s8, s6, $0xb8;
	[tilespmem:$0x1B080] =	vst v63  }
0xe1: {  	_ =	swait.ge [sflag:s15], $0x2800  }
0xe2: {  	[sflag:s15] =	ssyncset.done $0x0  }
0xe3: {  	[sflag:s15] =	ssyncadd.s32 $0xFFFFD800  }
0xe4: {  	_ =	swait.ge [sflag:s7], $0x2800  }
0xe5: {  	[sflag:s7] =	ssyncset.done $0x0  }
0xe6: {  	[sflag:s7] =	ssyncadd.s32 $0xFFFFD800  }
0xe7: {  	[spmem:s2] =	stream.indirect.scatter.add.f32 [tilespmem:s4], [sflag:$0x3], $0x80, s9, s6, $0xb8;
	[tilespmem:$0x1B080] =	vst v63  }
0xe8: {  	_ =	swait.ge [sflag:s15], $0x2800  }
0xe9: {  	[sflag:s15] =	ssyncset.done $0x0  }
0xea: {  	s19 =	rddreg [dreg:$0xb];
	[sflag:s15] =	ssyncadd.s32 $0xFFFFD800  }
0xeb: {  	[tilespmem:s3], [sflag:$0x3] =	stream.linear.gather [hbm4b:s19+s14], $0x1400, $0x38;
	[tilespmem:$0x1B080] =	vst v63  }
0xec: {  	_ =	swait.ge [sflag:s15], $0x1400  }
0xed: {  	[sflag:s15] =	ssyncset.done $0x0  }
0xee: {  	[sflag:s15] =	ssyncadd.s32 $0xFFFFEC00  }
0xef: {  	[spmem:s2] =	stream.indirect.scatter.add.f32 [tilespmem:s3], [sflag:$0x3], $0x80, s1, s10, $0xb8;
	[tilespmem:$0x1B080] =	vst v63  }
0xf0: {  	_ =	swait.ge [sflag:s15], $0x1400  }
0xf1: {  	[sflag:s15] =	ssyncset.done $0x0  }
0xf2: {  	[sflag:s15] =	ssyncadd.s32 $0xFFFFEC00  }
0xf3: {  	[bflag:$0x0] =	sbarrier.arrive $0xFFFF  }
0xf4: {  	[hbm:s23], [sflag:s12] =	dma.local [spmem:s13], $0x2800  }
0xf5: {  	_ =	swait.ge [sflag:s15], $0x2800  }
0xf6: {  	[sflag:s15] =	ssyncset.done $0x0  }
0xf7: {  	[sflag:s15] =	ssyncadd.s32 $0xFFFFD800  }
0xf8: {  	[spmem:s13], [sflag:s12] =	dma.local [hbm:s0], $0x2800  }
0xf9: {  	_ =	swait.ge [sflag:s15], $0x2800  }
0xfa: {  	[sflag:s15] =	ssyncset.done $0x0  }
0xfb: {  	[sflag:s15] =	ssyncadd.s32 $0xFFFFD800  }
0xfc: {  	[bflag:$0x0] =	sbarrier.arrive $0xFFFF  }
0xfd: {  	s19 =	rddreg [dreg:$0xc]  }
0xfe: {  	[tilespmem:s3], [sflag:$0x1] =	stream.linear.gather [hbm4b:s19+s14], $0x2800, $0x38;
	[tilespmem:$0x1B080] =	vst v63  }
0xff: {  	_ = 	snop  }
0x100: {  	[tilespmem:s4], [sflag:$0x2] =	stream.linear.gather [hbm4b:s31+s17], $0x2800, $0x38;
	[tilespmem:$0x1B080] =	vst v63  }
0x101: {  	_ =	swait.ge [sflag:s5], $0x2800  }
0x102: {  	[sflag:s5] =	ssyncset.done $0x0  }
0x103: {  	s19 =	simm.s32 $0x0;
	[sflag:s5] =	ssyncadd.s32 $0xFFFFD800  }
0x104: {  	[spmem:s2] =	stream.indirect.scatter.add.f32 [tilespmem:s3], [sflag:$0x3], $0x80, s19, s6, $0xb8;
	[tilespmem:$0x1B080] =	vst v63  }
0x105: {  	_ =	swait.ge [sflag:s15], $0x2800  }
0x106: {  	[sflag:s15] =	ssyncset.done $0x0  }
0x107: {  	s18 =	sadd.s32 $0x500, s31;
	[sflag:s15] =	ssyncadd.s32 $0xFFFFD800  }
0x108: {  	[tilespmem:s3], [sflag:$0x1] =	stream.linear.gather [hbm4b:s18+s17], $0x2800, $0x38;
	[tilespmem:$0x1B080] =	vst v63  }
0x109: {  	_ =	swait.ge [sflag:s7], $0x2800  }
0x10a: {  	[sflag:s7] =	ssyncset.done $0x0  }
0x10b: {  	s19 =	simm.s32 $0x80;
	[sflag:s7] =	ssyncadd.s32 $0xFFFFD800  }
0x10c: {  	[spmem:s2] =	stream.indirect.scatter.add.f32 [tilespmem:s4], [sflag:$0x3], $0x80, s19, s6, $0xb8;
	[tilespmem:$0x1B080] =	vst v63  }
0x10d: {  	_ =	swait.ge [sflag:s15], $0x2800  }
0x10e: {  	s28 =	smov.u32 s31;
	s14 =	simm.s32 $0x400;
	[sflag:s15] =	ssyncset.done $0x0  }
.LBB2_8:
0x10f: {  	p0 =	sne.s32 s14, $0x7400;
	[sflag:s15] =	ssyncadd.s32 $0xFFFFD800;
	s28 =	sadd.s32 $0xA00, s28  }
0x110: {  	[tilespmem:s4], [sflag:$0x2] =	stream.linear.gather [hbm4b:s28+s17], $0x2800, $0x38;
	[tilespmem:$0x1B080] =	vst v63  }
0x111: {  	s18 =	smov.u32 s14;
	s14 =	sadd.s32 $0x400, s14;
	_ =	swait.ge [sflag:s5], $0x2800  }
0x112: {  	[sflag:s5] =	ssyncset.done $0x0  }
0x113: {  	s18 =	sshra.s32 s18, $0x2;
	[sflag:s5] =	ssyncadd.s32 $0xFFFFD800  }
0x114: {  	[spmem:s2] =	stream.indirect.scatter.add.f32 [tilespmem:s3], [sflag:$0x3], $0x80, s18, s6, $0xb8;
	[tilespmem:$0x1B080] =	vst v63  }
0x115: {  	_ =	swait.ge [sflag:s15], $0x2800  }
0x116: {  	[sflag:s15] =	ssyncset.done $0x0  }
0x117: {  	s19 =	sadd.s32 $0x500, s28;
	[sflag:s15] =	ssyncadd.s32 $0xFFFFD800  }
0x118: {  	[tilespmem:s3], [sflag:$0x1] =	stream.linear.gather [hbm4b:s19+s17], $0x2800, $0x38;
	[tilespmem:$0x1B080] =	vst v63  }
0x119: {  	_ =	swait.ge [sflag:s7], $0x2800  }
.Ltmp3:
0x11a: {  	[sflag:s7] =	ssyncset.done $0x0;
	(pc) =	sbr.rel @p0 .LBB2_8-.Ltmp3, $4  }
0x11b: {  	s18 =	sadd.s32 $0x80, s18;
	[sflag:s7] =	ssyncadd.s32 $0xFFFFD800  }
0x11c: {  	[spmem:s2] =	stream.indirect.scatter.add.f32 [tilespmem:s4], [sflag:$0x3], $0x80, s18, s6, $0xb8;
	[tilespmem:$0x1B080] =	vst v63  }
0x11d: {  	_ =	swait.ge [sflag:s15], $0x2800  }
0x11e: {  	[sflag:s15] =	ssyncset.done $0x0  }
0x11f: {  	[sflag:s15] =	ssyncadd.s32 $0xFFFFD800;
	s14 =	simm.s32 $0x0;
	s18 =	rddreg [dreg:$0x11]  }
0x120: {  	[tilespmem:s4], [sflag:$0x2] =	stream.linear.gather [hbm4b:s18+s14], $0x2800, $0x38;
	[tilespmem:$0x1B080] =	vst v63  }
0x121: {  	_ =	swait.ge [sflag:s5], $0x2800  }
0x122: {  	[sflag:s5] =	ssyncset.done $0x0  }
0x123: {  	[sflag:s5] =	ssyncadd.s32 $0xFFFFD800  }
0x124: {  	[spmem:s2] =	stream.indirect.scatter.add.f32 [tilespmem:s3], [sflag:$0x3], $0x80, s8, s6, $0xb8;
	[tilespmem:$0x1B080] =	vst v63  }
0x125: {  	_ =	swait.ge [sflag:s15], $0x2800  }
0x126: {  	[sflag:s15] =	ssyncset.done $0x0  }
0x127: {  	[sflag:s15] =	ssyncadd.s32 $0xFFFFD800  }
0x128: {  	_ =	swait.ge [sflag:s7], $0x2800  }
0x129: {  	[sflag:s7] =	ssyncset.done $0x0  }
0x12a: {  	[sflag:s7] =	ssyncadd.s32 $0xFFFFD800  }
0x12b: {  	[spmem:s2] =	stream.indirect.scatter.add.f32 [tilespmem:s4], [sflag:$0x3], $0x80, s9, s6, $0xb8;
	[tilespmem:$0x1B080] =	vst v63  }
0x12c: {  	_ =	swait.ge [sflag:s15], $0x2800  }
0x12d: {  	[sflag:s15] =	ssyncset.done $0x0  }
0x12e: {  	s28 =	rddreg [dreg:$0xd];
	[sflag:s15] =	ssyncadd.s32 $0xFFFFD800  }
0x12f: {  	[tilespmem:s3], [sflag:$0x3] =	stream.linear.gather [hbm4b:s28+s14], $0x1400, $0x38;
	[tilespmem:$0x1B080] =	vst v63  }
0x130: {  	_ =	swait.ge [sflag:s15], $0x1400  }
0x131: {  	[sflag:s15] =	ssyncset.done $0x0  }
0x132: {  	[sflag:s15] =	ssyncadd.s32 $0xFFFFEC00  }
0x133: {  	[spmem:s2] =	stream.indirect.scatter.add.f32 [tilespmem:s3], [sflag:$0x3], $0x80, s1, s10, $0xb8;
	[tilespmem:$0x1B080] =	vst v63  }
0x134: {  	_ =	swait.ge [sflag:s15], $0x1400  }
0x135: {  	[sflag:s15] =	ssyncset.done $0x0  }
0x136: {  	[sflag:s15] =	ssyncadd.s32 $0xFFFFEC00  }
0x137: {  	[bflag:$0x0] =	sbarrier.arrive $0xFFFF  }
0x138: {  	[hbm:s24], [sflag:s12] =	dma.local [spmem:s13], $0x2800  }
0x139: {  	_ =	swait.ge [sflag:s15], $0x2800  }
0x13a: {  	[sflag:s15] =	ssyncset.done $0x0  }
0x13b: {  	[sflag:s15] =	ssyncadd.s32 $0xFFFFD800  }
0x13c: {  	[spmem:s13], [sflag:s12] =	dma.local [hbm:s0], $0x2800  }
0x13d: {  	_ =	swait.ge [sflag:s15], $0x2800  }
0x13e: {  	[sflag:s15] =	ssyncset.done $0x0  }
0x13f: {  	[sflag:s15] =	ssyncadd.s32 $0xFFFFD800  }
0x140: {  	[bflag:$0x0] =	sbarrier.arrive $0xFFFF  }
0x141: {  	s19 =	rddreg [dreg:$0x12]  }
0x142: {  	[tilespmem:s3], [sflag:$0x3] =	stream.linear.gather [hbm4b:s19+s14], $0x2800, $0x38;
	[tilespmem:$0x1B080] =	vst v63  }
0x143: {  	_ =	swait.ge [sflag:s15], $0x2800  }
0x144: {  	[sflag:s15] =	ssyncset.done $0x0  }
0x145: {  	s28 =	simm.s32 $0x0;
	[sflag:s15] =	ssyncadd.s32 $0xFFFFD800  }
0x146: {  	[spmem:s2] =	stream.indirect.scatter.add.f32 [tilespmem:s3], [sflag:$0x3], $0x80, s28, s6, $0xb8;
	[tilespmem:$0x1B080] =	vst v63  }
0x147: {  	_ =	swait.ge [sflag:s15], $0x2800  }
0x148: {  	s14 =	simm.s32 $0x200;
	[sflag:s15] =	ssyncset.done $0x0  }
.LBB2_10:
0x149: {  	s18 =	sshra.s32 s14, $0x2;
	[sflag:s15] =	ssyncadd.s32 $0xFFFFD800;
	p0 =	sne.s32 s14, $0x7A00  }
0x14a: {  	[spmem:s2] =	stream.indirect.scatter.add.f32 [tilespmem:s3], [sflag:$0x3], $0x80, s18, s6, $0xb8;
	[tilespmem:$0x1B080] =	vst v63  }
.Ltmp4:
0x14b: {  	_ = 	snop;
	(pc) =	sbr.rel @p0 .LBB2_10-.Ltmp4, $4  }
0x14c: {  	_ = 	snop  }
0x14d: {  	s14 =	sadd.s32 $0x200, s14  }
0x14e: {  	_ =	swait.ge [sflag:s15], $0x2800  }
0x14f: {  	[sflag:s15] =	ssyncset.done $0x0  }
0x150: {  	[sflag:s15] =	ssyncadd.s32 $0xFFFFD800  }
0x151: {  	[spmem:s2] =	stream.indirect.scatter.add.f32 [tilespmem:s3], [sflag:$0x3], $0x80, s1, s10, $0xb8;
	[tilespmem:$0x1B080] =	vst v63  }
0x152: {  	_ =	swait.ge [sflag:s15], $0x1400  }
0x153: {  	s11 =	sadd.s32 $0x1, s11;
	[sflag:s15] =	ssyncset.done $0x0  }
0x154: {  	p0 =	sne.s32 s11, s26;
	[sflag:s15] =	ssyncadd.s32 $0xFFFFEC00  }
.Ltmp5:
0x155: {  	[bflag:$0x0] =	sbarrier.arrive $0xFFFF;
	(pc) =	sbr.rel @p0 .LBB2_1-.Ltmp5, $4  }
0x156: {  	[hbm:s25], [sflag:s12] =	dma.local [spmem:s13], $0x2800  }
0x157: {  	_ =	swait.ge [sflag:s15], $0x2800  }
0x158: {  	[sflag:s15] =	ssyncset.done $0x0  }
0x159: {  	[sflag:s15] =	ssyncadd.s32 $0xFFFFD800  }
0x15a: {  	_ =	sfence.sel $0x180000  }
0x15b: {  	[bflag:$0x0] =	sbarrier.arrive $0xFFFF  }
0x15c: {  	_ =	strace $0x90000047  }
0x15d: {  	s0 =	stileid.u32;
	[bflag:$0x2] =	sbarrier.arrive $0xFFFF  }
0x15e: {  	p0 =	sne.s32 s0, $0x0;
	s0 =	rddreg [dreg:$0x4]  }
0x15f: {  	s0 =	sadd.s32 @!p0 $0x100000, s0  }
0x160: {  	[sflag:s0] =	ssyncadd.tile.s32 @!p0 $0x1;
	_ =	shalt  }
.Lfunc_end2:
_tile_overlayer_lowered:
.L_overlay_start_2:
0x161: {  	(tag) =	ssettag $0x2  }
0x162: {  	s0 =	rddreg [dreg:$0x0];
	s2 =	stileid.u32  }
0x163: {  	s1 =	rddreg [dreg:$0x1];
	p0 =	sne.s32 s2, $0x0  }
0x164: {  	s3 =	rddreg [dreg:$0x2];
	[bflag:$0x3] =	sbarrier.arrive $0xFFFF;
	s2 =	simm.s32 @!p0 $0x1C03  }
0x165: {  	[timem:s3], [sflag:s2] =	dma.local @!p0 [hbm:s0], s1  }
0x166: {  	s0 =	simm.s32 @!p0 $0x3  }
0x167: {  	_ =	swait.ge @!p0 [sflag:s0], s1  }
0x168: {  	s1 =	ssub.s32 @!p0 $0x0, s1;
	[sflag:s0] =	ssyncset.done @!p0 $0x0  }
0x169: {  	[sflag:s0] =	ssyncadd.s32 @!p0 s1  }
0x16a: {  	[bflag:$0x3] =	sbarrier.arrive $0xFFFF  }
0x16b: {  	_ =	shalt  }

</sc_bundles>
